<compile_context>
chip_gen: v7x
topology: tpu7x:2x2x1
jax: 0.10.2.dev20260603
libtpu: 0.0.44.dev20260713+nightly
codegen_flags: <defaults>
</compile_context>

<pallas_src>
import dataclasses
import functools
import math

import jax
import jax.numpy as jnp
from jax import lax
from jax.experimental import pallas as pl
from jax.experimental.pallas import tpu as pltpu
from jax.experimental.pallas import tpu_sc as plsc

POOLED = 7
NBINS = POOLED * POOLED
SCALE = 0.125
NPAD = 1024
T = 32


def _prep_body(n_real, H, W, rois_ref, idx_ref, w_ref):
    r = rois_ref[...]
    bidx = r[0:1, :].astype(jnp.int32)
    cx, cy = r[1:2, :], r[2:3, :]
    hh, ww = r[3:4, :], r[4:5, :]
    th = r[5:6, :] * (math.pi / 180.0)

    Sx = ww * (SCALE / POOLED)
    Sy = hh * (SCALE / POOLED)
    Al, Be = jnp.cos(th), jnp.sin(th)
    dx = dy = -POOLED / 2.0
    M00 = Al * Sx
    M01 = Be * Sy
    M02 = Al * Sx * dx + Be * Sy * dy + cx * SCALE
    M10 = -Be * Sx
    M11 = Al * Sy
    M12 = -Be * Sx * dx + Al * Sy * dy + cy * SCALE

    bi = lax.broadcasted_iota(jnp.int32, (NBINS, NPAD), 0)
    lane = lax.broadcasted_iota(jnp.int32, (NBINS, NPAD), 1)
    pwf = (bi % POOLED).astype(jnp.float32) + 0.5
    phf = (bi // POOLED).astype(jnp.float32) + 0.5
    Px = M00 * pwf + M01 * phf + M02
    Py = M10 * pwf + M11 * phf + M12

    vf = ((Px >= 0.0) & (Px <= W - 1.0) & (Py >= 0.0) & (Py <= H - 1.0)
          & (lane < n_real)).astype(jnp.float32)
    x0i = Px.astype(jnp.int32)
    y0i = Py.astype(jnp.int32)
    wx = Px - x0i.astype(jnp.float32)
    wy = Py - y0i.astype(jnp.float32)
    x0 = jnp.clip(x0i, 0, W - 1)
    x1 = jnp.clip(x0i + 1, 0, W - 1)
    y0 = jnp.clip(y0i, 0, H - 1)
    y1 = jnp.clip(y0i + 1, 0, H - 1)

    base = bidx * (H * W)
    idx_ref[0] = base + y0 * W + x0
    idx_ref[1] = base + y0 * W + x1
    idx_ref[2] = base + y1 * W + x0
    idx_ref[3] = base + y1 * W + x1
    w_ref[0] = (1.0 - wy) * (1.0 - wx) * vf
    w_ref[1] = (1.0 - wy) * wx * vf
    w_ref[2] = wy * (1.0 - wx) * vf
    w_ref[3] = wy * wx * vf


def _sc_pooled_rows(table, idx_g, w_g, C):
    G = idx_g.shape[0]
    K = G * T
    mesh = plsc.VectorSubcoreMesh(core_axis_name="core", subcore_axis_name="subcore")

    cp = pltpu.CompilerParams()
    if "needs_layout_passes" in pltpu.CompilerParams.__dataclass_fields__:
        cp = dataclasses.replace(cp, needs_layout_passes=False)

    @functools.partial(
        pl.kernel,
        out_type=jax.ShapeDtypeStruct((K, C), jnp.float32),
        mesh=mesh,
        scratch_types=[pltpu.VMEM((T, C), jnp.float32) for _ in range(4)]
        + [pltpu.SemaphoreType.DMA],
        compiler_params=cp,
    )
    def sc_kernel(table_hbm, idx_hbm, w_hbm, out_hbm, r0, r1, r2, r3, sem):
        rows = (r0, r1, r2, r3)

        def body(i_vmem, w_vmem, o_vmem):
            copies = [
                pltpu.async_copy(table_hbm.at[i_vmem.at[0, pl.ds(c * T, T)]],
                                 rows[c], sem)
                for c in range(4)
            ]
            for copy in copies:
                copy.wait()

            @pl.loop(0, T)
            def _bin(b):
                bvec = jnp.full((16,), b, jnp.int32)
                zero = jnp.zeros((16,), jnp.int32)
                w0 = plsc.load_gather(w_vmem, [zero, bvec])
                w1 = plsc.load_gather(w_vmem, [zero, bvec + T])
                w2 = plsc.load_gather(w_vmem, [zero, bvec + 2 * T])
                w3 = plsc.load_gather(w_vmem, [zero, bvec + 3 * T])
                for j in range(0, C, 16):
                    s = pl.ds(j, 16)
                    o_vmem[b, s] = (w0 * r0[b, s] + w1 * r1[b, s]
                                    + w2 * r2[b, s] + w3 * r3[b, s])

        pltpu.emit_pipeline(
            body,
            grid=(G,),
            in_specs=[
                pl.BlockSpec((1, 4 * T), lambda i: (i, 0)),
                pl.BlockSpec((1, 4 * T), lambda i: (i, 0)),
            ],
            out_specs=[pl.BlockSpec((T, C), lambda i: (i, 0))],
            core_axis_name=("core", "subcore"),
            dimension_semantics=(pltpu.PARALLEL,),
        )(idx_hbm, w_hbm, out_hbm)

    return sc_kernel(table, idx_g, w_g)


def kernel(input, rois):
    B, C, H, W = input.shape
    n = rois.shape[0]
    assert n <= NPAD

    table = input.transpose(0, 2, 3, 1).reshape(B * H * W, C)
    rois_t = jnp.pad(rois.T, ((0, 0), (0, NPAD - n)))

    idx4, w4 = pl.pallas_call(
        functools.partial(_prep_body, n, H, W),
        out_shape=(
            jax.ShapeDtypeStruct((4, NBINS, NPAD), jnp.int32),
            jax.ShapeDtypeStruct((4, NBINS, NPAD), jnp.float32),
        ),
    )(rois_t)

    K0 = NBINS * NPAD
    K = ((K0 + 32 * T - 1) // (32 * T)) * (32 * T)
    G = K // T
    idx_flat = jnp.pad(idx4.reshape(4, K0), ((0, 0), (0, K - K0)))
    w_flat = jnp.pad(w4.reshape(4, K0), ((0, 0), (0, K - K0)))
    idx_g = idx_flat.reshape(4, G, T).transpose(1, 0, 2).reshape(G, 4 * T)
    w_g = w_flat.reshape(4, G, T).transpose(1, 0, 2).reshape(G, 4 * T)
    out_rows = _sc_pooled_rows(table, idx_g, w_g, C)
    out = out_rows[:K0].reshape(NBINS, NPAD, C)[:, :n]
    return out.transpose(1, 2, 0).reshape(n, C, POOLED, POOLED)

# --- scband reference (transcript-rebuilt; emitter-appended) ---
"""Pipeline reference for scband-rroialign-833223655745 (READ-ONLY COPY).

The authoritative reference and input builder live on the scoring server;
editing this copy changes nothing except your own understanding.
"""

import jax, jax.numpy as jnp
import numpy as np

POOLED_H = 7
POOLED_W = 7
SPATIAL_SCALE = 0.125


def setup_inputs(seed: int = 0) -> dict:
    key = jax.random.key(seed)
    k1, k2, k3, k4, k5, k6 = jax.random.split(key, 6)
    B, C, H, W = 2, 256, 128, 128
    N = 1000
    x = jax.random.normal(k1, (B, C, H, W), dtype=jnp.float32)
    # RRPN-style rotated rois: (batch_idx, cx, cy, h, w, angle_deg) in image coords
    batch_idx = jax.random.randint(k2, (N,), 0, B).astype(jnp.float32)
    img_w = W / SPATIAL_SCALE
    img_h = H / SPATIAL_SCALE
    cx = jax.random.uniform(k3, (N,), minval=0.0, maxval=img_w, dtype=jnp.float32)
    cy = jax.random.uniform(k4, (N,), minval=0.0, maxval=img_h, dtype=jnp.float32)
    wh = jax.random.uniform(k5, (N, 2), minval=32.0, maxval=256.0, dtype=jnp.float32)
    angle = jax.random.uniform(k6, (N,), minval=-90.0, maxval=90.0, dtype=jnp.float32)
    rois = jnp.stack([batch_idx, cx, cy, wh[:, 0], wh[:, 1], angle], axis=1)
    return {"input": x, "rois": rois}


def reference(input, rois):
    # Rotated ROI Align (RRPN rroi_align): per output bin, apply the roi's
    # affine transform to the bin center (average of the 4 transformed bin
    # corners == transformed center) and bilinearly interpolate the feature map.
    N = rois.shape[0]
    C, H, W = input.shape[1], input.shape[2], input.shape[3]
    batch = rois[:, 0].astype(jnp.int32)
    cx = rois[:, 1]
    cy = rois[:, 2]
    h = rois[:, 3]
    w = rois[:, 4]
    theta = rois[:, 5] * (jnp.pi / 180.0)

    dx = -POOLED_W / 2.0
    dy = -POOLED_H / 2.0
    Sx = w * SPATIAL_SCALE / POOLED_W
    Sy = h * SPATIAL_SCALE / POOLED_H
    Alpha = jnp.cos(theta)
    Beta = jnp.sin(theta)
    Dx = cx * SPATIAL_SCALE
    Dy = cy * SPATIAL_SCALE

    M00 = Alpha * Sx
    M01 = Beta * Sy
    M02 = Alpha * Sx * dx + Beta * Sy * dy + Dx
    M10 = -Beta * Sx
    M11 = Alpha * Sy
    M12 = -Beta * Sx * dx + Alpha * Sy * dy + Dy

    ph = jnp.arange(POOLED_H, dtype=jnp.float32)
    pw = jnp.arange(POOLED_W, dtype=jnp.float32)
    PH, PW = jnp.meshgrid(ph, pw, indexing='ij')  # [ph, pw]

    # transformed bin center (= average of the 4 transformed corners)
    Px = M00[:, None, None] * (PW + 0.5) + M01[:, None, None] * (PH + 0.5) + M02[:, None, None]
    Py = M10[:, None, None] * (PW + 0.5) + M11[:, None, None] * (PH + 0.5) + M12[:, None, None]

    valid = (Px >= 0.0) & (Px <= W - 1.0) & (Py >= 0.0) & (Py <= H - 1.0)

    x0f = jnp.floor(Px)
    y0f = jnp.floor(Py)
    wx = Px - x0f
    wy = Py - y0f
    x0 = jnp.clip(x0f.astype(jnp.int32), 0, W - 1)
    y0 = jnp.clip(y0f.astype(jnp.int32), 0, H - 1)
    x1 = jnp.clip(x0 + 1, 0, W - 1)
    y1 = jnp.clip(y0 + 1, 0, H - 1)

    b = batch[:, None, None]  # [N,1,1]
    v00 = input[b, :, y0, x0]  # [N, ph, pw, C]
    v01 = input[b, :, y0, x1]
    v10 = input[b, :, y1, x0]
    v11 = input[b, :, y1, x1]

    wxe = wx[..., None]
    wye = wy[..., None]
    val = (1.0 - wye) * ((1.0 - wxe) * v00 + wxe * v01) + wye * ((1.0 - wxe) * v10 + wxe * v11)
    val = jnp.where(valid[..., None], val, 0.0)
    out = jnp.transpose(val, (0, 3, 1, 2))  # [N, C, ph, pw]
    return out

if __name__ == "__main__":
    import jax
    _d = setup_inputs()
    print(jax.jit(kernel)(*tuple(_d.values())))

</pallas_src>

<mosaic_0001>
#map = affine_map<(d0, d1) -> (0, 0)>
module attributes {stable_mosaic.version = 14 : i64} {
  func.func @sc_kernel(%arg0: i32, %arg1: i32, %arg2: memref<32768x256xf32, #tpu.memory_space<hbm>>, %arg3: memref<1568x128xi32, #tpu.memory_space<hbm>>, %arg4: memref<1568x128xf32, #tpu.memory_space<hbm>>, %arg5: memref<50176x256xf32, #tpu.memory_space<hbm>>, %arg6: memref<32x256xf32, #tpu.memory_space<vmem>>, %arg7: memref<32x256xf32, #tpu.memory_space<vmem>>, %arg8: memref<32x256xf32, #tpu.memory_space<vmem>>, %arg9: memref<32x256xf32, #tpu.memory_space<vmem>>, %arg10: memref<!tpu.dma_semaphore, #tpu.memory_space<semaphore_mem>>) attributes {dimension_semantics = [#tpu.dimension_semantics<core_parallel>, #tpu.dimension_semantics<subcore_parallel>], iteration_bounds = array<i64: 2, 16>, scalar_prefetch = 0 : i64, scratch_operands = 5 : i64, tpu.core_type = #tpu.core_type<sc_vector_subcore>, window_params = [{transform_indices = #map}, {transform_indices = #map}, {transform_indices = #map}, {transform_indices = #map}]} {
    %mul3A = arith.constant 1 : i32
    %mul3A_0 = arith.muli %arg1, %mul3A : i32
    %add3A = arith.constant 0 : i32
    %add3A_1 = arith.addi %add3A, %mul3A_0 : i32
    %mul3A_2 = arith.constant 16 : i32
    %mul3A_3 = arith.muli %arg0, %mul3A_2 : i32
    %add3A_4 = arith.addi %add3A_1, %mul3A_3 : i32
    %mul3A_5 = arith.constant 49 : i32
    %mul3A_6 = arith.muli %add3A_4, %mul3A_5 : i32
    "tpu.region"() ({
      %run_scoped3A = memref.alloca() : memref<2x1x128xi32, #tpu.memory_space<vmem>>
      %run_scoped3A_7 = tpu.sem_alloc : memref<2x!tpu.dma_semaphore, #tpu.memory_space<semaphore_mem>>
      %run_scoped3A_8 = memref.alloca() : memref<2x1x128xf32, #tpu.memory_space<vmem>>
      %run_scoped3A_9 = tpu.sem_alloc : memref<2x!tpu.dma_semaphore, #tpu.memory_space<semaphore_mem>>
      %run_scoped3A_10 = memref.alloca() : memref<2x32x256xf32, #tpu.memory_space<vmem>>
      %run_scoped3A_11 = tpu.sem_alloc : memref<2x!tpu.dma_semaphore, #tpu.memory_space<semaphore_mem>>
      %add3A_12 = arith.constant 0 : i32
      %add3A_13 = arith.addi %add3A_12, %mul3A_6 : i32
      %select_n3A = arith.constant true
      %select_n3A_14 = arith.constant 0 : i32
      %select_n3A_15 = arith.constant -1 : i32
      %select_n3A_16 = arith.select %select_n3A, %select_n3A_15, %select_n3A_14 : i32
      %eq3A = arith.constant -1 : i32
      %eq3A_17 = arith.cmpi eq, %select_n3A_16, %eq3A : i32
      %select_n3A_18 = arith.constant 48 : i32
      %select_n3A_19 = arith.select %eq3A_17, %select_n3A_18, %select_n3A_16 : i32
      %add3A_20 = arith.addi %select_n3A_19, %mul3A_6 : i32
      %select_n3A_21 = arith.constant true
      %select_n3A_22 = arith.constant 0 : i32
      %select_n3A_23 = arith.constant 1 : i32
      %select_n3A_24 = arith.select %select_n3A_21, %select_n3A_23, %select_n3A_22 : i32
      %eq3A_25 = arith.constant 49 : i32
      %eq3A_26 = arith.cmpi eq, %select_n3A_24, %eq3A_25 : i32
      %select_n3A_27 = arith.constant 0 : i32
      %select_n3A_28 = arith.select %eq3A_26, %select_n3A_27, %select_n3A_24 : i32
      %add3A_29 = arith.addi %select_n3A_28, %mul3A_6 : i32
      %add3A_30 = arith.constant 1 : i32
      %add3A_31 = arith.addi %select_n3A_28, %add3A_30 : i32
      %select_n3A_32 = arith.constant true
      %select_n3A_33 = arith.select %select_n3A_32, %add3A_31, %select_n3A_28 : i32
      %eq3A_34 = arith.constant 49 : i32
      %eq3A_35 = arith.cmpi eq, %select_n3A_33, %eq3A_34 : i32
      %select_n3A_36 = arith.constant 0 : i32
      %select_n3A_37 = arith.select %eq3A_35, %select_n3A_36, %select_n3A_33 : i32
      %add3A_38 = arith.addi %select_n3A_37, %mul3A_6 : i32
      "tpu.trace_start"() <{level = 10 : i32, message = "ep_initialize_0"}> : () -> ()
      %rem3A = arith.constant 0 : i32
      %rem3A_39 = arith.constant 2 : i32
      %rem3A_40 = arith.remui %rem3A, %rem3A_39 : i32
      %mul3A_41 = arith.constant 1 : i32
      %mul3A_42 = arith.muli %mul3A_41, %add3A_13 : i32
      %dma_start3A = arith.constant 0 : i32
      %dma_start3A_43 = arith.constant 0 : i32
      %dma_start3A_44 = tpu.memref_slice %run_scoped3A[%rem3A_40, %dma_start3A, %dma_start3A_43] : memref<2x1x128xi32, #tpu.memory_space<vmem>> -> memref<1x1x128xi32, #tpu.memory_space<vmem>>
      %dma_start3A_45 = tpu.memref_squeeze %dma_start3A_44 : memref<1x1x128xi32, #tpu.memory_space<vmem>> -> memref<1x128xi32, #tpu.memory_space<vmem>>
      %dma_start3A_46 = arith.constant 0 : i32
      %dma_start3A_47 = tpu.memref_slice %arg3[%mul3A_42, %dma_start3A_46] : memref<1568x128xi32, #tpu.memory_space<hbm>> -> memref<1x128xi32, #tpu.memory_space<hbm>>
      %dma_start3A_48 = tpu.memref_slice %run_scoped3A_7[%rem3A_40] : memref<2x!tpu.dma_semaphore, #tpu.memory_space<semaphore_mem>> -> memref<1x!tpu.dma_semaphore, #tpu.memory_space<semaphore_mem>>
      %dma_start3A_49 = tpu.memref_squeeze %dma_start3A_48 : memref<1x!tpu.dma_semaphore, #tpu.memory_space<semaphore_mem>> -> memref<!tpu.dma_semaphore, #tpu.memory_space<semaphore_mem>>
      %dma_start3A_50 = arith.constant 0 : i32
      %dma_start3A_51 = arith.constant 0 : i32
      %dma_start3A_52 = tpu.memref_slice %run_scoped3A[%rem3A_40, %dma_start3A_50, %dma_start3A_51] : memref<2x1x128xi32, #tpu.memory_space<vmem>> -> memref<1x1x128xi32, #tpu.memory_space<vmem>>
      %dma_start3A_53 = tpu.memref_squeeze %dma_start3A_52 : memref<1x1x128xi32, #tpu.memory_space<vmem>> -> memref<1x128xi32, #tpu.memory_space<vmem>>
      %dma_start3A_54 = arith.constant 0 : i32
      %dma_start3A_55 = tpu.memref_slice %arg3[%mul3A_42, %dma_start3A_54] : memref<1568x128xi32, #tpu.memory_space<hbm>> -> memref<1x128xi32, #tpu.memory_space<hbm>>
      tpu.enqueue_dma source(%dma_start3A_55 : memref<1x128xi32, #tpu.memory_space<hbm>>) target(%dma_start3A_53 : memref<1x128xi32, #tpu.memory_space<vmem>>) target_semaphore(%dma_start3A_49 : memref<!tpu.dma_semaphore, #tpu.memory_space<semaphore_mem>>)
      %add3A_56 = arith.constant 0 : i32
      %add3A_57 = arith.constant 1 : i32
      %add3A_58 = arith.addi %add3A_56, %add3A_57 : i32
      %select_n3A_59 = arith.constant true
      %select_n3A_60 = arith.constant 0 : i32
      %select_n3A_61 = arith.select %select_n3A_59, %add3A_58, %select_n3A_60 : i32
      %rem3A_62 = arith.constant 0 : i32
      %rem3A_63 = arith.constant 2 : i32
      %rem3A_64 = arith.remui %rem3A_62, %rem3A_63 : i32
      %mul3A_65 = arith.constant 1 : i32
      %mul3A_66 = arith.muli %mul3A_65, %add3A_13 : i32
      %dma_start3A_67 = arith.constant 0 : i32
      %dma_start3A_68 = arith.constant 0 : i32
      %dma_start3A_69 = tpu.memref_slice %run_scoped3A_8[%rem3A_64, %dma_start3A_67, %dma_start3A_68] : memref<2x1x128xf32, #tpu.memory_space<vmem>> -> memref<1x1x128xf32, #tpu.memory_space<vmem>>
      %dma_start3A_70 = tpu.memref_squeeze %dma_start3A_69 : memref<1x1x128xf32, #tpu.memory_space<vmem>> -> memref<1x128xf32, #tpu.memory_space<vmem>>
      %dma_start3A_71 = arith.constant 0 : i32
      %dma_start3A_72 = tpu.memref_slice %arg4[%mul3A_66, %dma_start3A_71] : memref<1568x128xf32, #tpu.memory_space<hbm>> -> memref<1x128xf32, #tpu.memory_space<hbm>>
      %dma_start3A_73 = tpu.memref_slice %run_scoped3A_9[%rem3A_64] : memref<2x!tpu.dma_semaphore, #tpu.memory_space<semaphore_mem>> -> memref<1x!tpu.dma_semaphore, #tpu.memory_space<semaphore_mem>>
      %dma_start3A_74 = tpu.memref_squeeze %dma_start3A_73 : memref<1x!tpu.dma_semaphore, #tpu.memory_space<semaphore_mem>> -> memref<!tpu.dma_semaphore, #tpu.memory_space<semaphore_mem>>
      %dma_start3A_75 = arith.constant 0 : i32
      %dma_start3A_76 = arith.constant 0 : i32
      %dma_start3A_77 = tpu.memref_slice %run_scoped3A_8[%rem3A_64, %dma_start3A_75, %dma_start3A_76] : memref<2x1x128xf32, #tpu.memory_space<vmem>> -> memref<1x1x128xf32, #tpu.memory_space<vmem>>
      %dma_start3A_78 = tpu.memref_squeeze %dma_start3A_77 : memref<1x1x128xf32, #tpu.memory_space<vmem>> -> memref<1x128xf32, #tpu.memory_space<vmem>>
      %dma_start3A_79 = arith.constant 0 : i32
      %dma_start3A_80 = tpu.memref_slice %arg4[%mul3A_66, %dma_start3A_79] : memref<1568x128xf32, #tpu.memory_space<hbm>> -> memref<1x128xf32, #tpu.memory_space<hbm>>
      tpu.enqueue_dma source(%dma_start3A_80 : memref<1x128xf32, #tpu.memory_space<hbm>>) target(%dma_start3A_78 : memref<1x128xf32, #tpu.memory_space<vmem>>) target_semaphore(%dma_start3A_74 : memref<!tpu.dma_semaphore, #tpu.memory_space<semaphore_mem>>)
      %add3A_81 = arith.constant 0 : i32
      %add3A_82 = arith.constant 1 : i32
      %add3A_83 = arith.addi %add3A_81, %add3A_82 : i32
      %select_n3A_84 = arith.constant true
      %select_n3A_85 = arith.constant 0 : i32
      %select_n3A_86 = arith.select %select_n3A_84, %add3A_83, %select_n3A_85 : i32
      "tpu.trace_stop"() : () -> ()
      %scan3A = arith.constant 0 : i32
      %scan3A_87 = arith.constant 0 : i32
      %scan3A_88 = arith.constant 0 : i32
      %scan3A_89 = arith.constant 0 : i32
      %scan3A_90 = arith.constant 0 : i32
      %scan3A_91 = arith.constant 0 : i32
      %scan3A_92 = arith.constant 49 : i32
      %scan3A_93 = arith.addi %scan3A_91, %scan3A_92 : i32
      %scan3A_94 = arith.constant 1 : i32
      %scan3A_95:7 = scf.for %scan3A_149 = %scan3A_91 to %scan3A_93 step %scan3A_94 iter_args(%scan3A_150 = %select_n3A_61, %scan3A_151 = %scan3A, %scan3A_152 = %select_n3A_86, %scan3A_153 = %scan3A_87, %scan3A_154 = %scan3A_88, %scan3A_155 = %scan3A_89, %scan3A_156 = %scan3A_90) -> (i32, i32, i32, i32, i32, i32, i32)  : i32 {
        %eq3A_157 = arith.constant 0 : i32
        %eq3A_158 = arith.cmpi eq, %scan3A_149, %eq3A_157 : i32
        %eq3A_159 = arith.constant 48 : i32
        %eq3A_160 = arith.cmpi eq, %scan3A_149, %eq3A_159 : i32
        %add3A_161 = arith.addi %scan3A_156, %mul3A_6 : i32
        %sub3A_162 = arith.constant 1 : i32
        %sub3A_163 = arith.subi %scan3A_156, %sub3A_162 : i32
        %select_n3A_164 = arith.constant true
        %select_n3A_165 = arith.select %select_n3A_164, %sub3A_163, %scan3A_156 : i32
        %eq3A_166 = arith.constant -1 : i32
        %eq3A_167 = arith.cmpi eq, %select_n3A_165, %eq3A_166 : i32
        %select_n3A_168 = arith.constant 48 : i32
        %select_n3A_169 = arith.select %eq3A_167, %select_n3A_168, %select_n3A_165 : i32
        %add3A_170 = arith.addi %select_n3A_169, %mul3A_6 : i32
        %add3A_171 = arith.constant 1 : i32
        %add3A_172 = arith.addi %scan3A_156, %add3A_171 : i32
        %select_n3A_173 = arith.constant true
        %select_n3A_174 = arith.select %select_n3A_173, %add3A_172, %scan3A_156 : i32
        %eq3A_175 = arith.constant 49 : i32
        %eq3A_176 = arith.cmpi eq, %select_n3A_174, %eq3A_175 : i32
        %select_n3A_177 = arith.constant 0 : i32
        %select_n3A_178 = arith.select %eq3A_176, %select_n3A_177, %select_n3A_174 : i32
        %add3A_179 = arith.addi %select_n3A_178, %mul3A_6 : i32
        %add3A_180 = arith.constant 1 : i32
        %add3A_181 = arith.addi %select_n3A_178, %add3A_180 : i32
        %select_n3A_182 = arith.constant true
        %select_n3A_183 = arith.select %select_n3A_182, %add3A_181, %select_n3A_178 : i32
        %eq3A_184 = arith.constant 49 : i32
        %eq3A_185 = arith.cmpi eq, %select_n3A_183, %eq3A_184 : i32
        %select_n3A_186 = arith.constant 0 : i32
        %select_n3A_187 = arith.select %eq3A_185, %select_n3A_186, %select_n3A_183 : i32
        %add3A_188 = arith.addi %select_n3A_187, %mul3A_6 : i32
        %ne3A = arith.cmpi ne, %add3A_161, %add3A_179 : i32
        %or3A = arith.constant false
        %or3A_189 = arith.ori %or3A, %ne3A : i1
        %or3A_190 = arith.constant false
        %or3A_191 = arith.ori %or3A_189, %or3A_190 : i1
        %ge3A = arith.constant 48 : i32
        %ge3A_192 = arith.cmpi sge, %scan3A_149, %ge3A : i32
        %not3A = arith.constant true
        %not3A_193 = arith.xori %ge3A_192, %not3A : i1
        %and3A = arith.andi %or3A_191, %not3A_193 : i1
        %convert_element_type3A = arith.extui %and3A : i1 to i32
        %cond3A = arith.constant 0 : i32
        %cond3A_194 = arith.cmpi ne, %convert_element_type3A, %cond3A : i32
        scf.if %cond3A_194 {
          "tpu.trace_start"() <{level = 10 : i32, message = "ep_copy_in"}> : () -> ()
          %rem3A_458 = arith.constant 2 : i32
          %rem3A_459 = arith.remui %scan3A_150, %rem3A_458 : i32
          %mul3A_460 = arith.constant 1 : i32
          %mul3A_461 = arith.muli %mul3A_460, %add3A_179 : i32
          %dma_start3A_462 = arith.constant 0 : i32
          %dma_start3A_463 = arith.constant 0 : i32
          %dma_start3A_464 = tpu.memref_slice %run_scoped3A[%rem3A_459, %dma_start3A_462, %dma_start3A_463] : memref<2x1x128xi32, #tpu.memory_space<vmem>> -> memref<1x1x128xi32, #tpu.memory_space<vmem>>
          %dma_start3A_465 = tpu.memref_squeeze %dma_start3A_464 : memref<1x1x128xi32, #tpu.memory_space<vmem>> -> memref<1x128xi32, #tpu.memory_space<vmem>>
          %dma_start3A_466 = arith.constant 0 : i32
          %dma_start3A_467 = tpu.memref_slice %arg3[%mul3A_461, %dma_start3A_466] : memref<1568x128xi32, #tpu.memory_space<hbm>> -> memref<1x128xi32, #tpu.memory_space<hbm>>
          %dma_start3A_468 = tpu.memref_slice %run_scoped3A_7[%rem3A_459] : memref<2x!tpu.dma_semaphore, #tpu.memory_space<semaphore_mem>> -> memref<1x!tpu.dma_semaphore, #tpu.memory_space<semaphore_mem>>
          %dma_start3A_469 = tpu.memref_squeeze %dma_start3A_468 : memref<1x!tpu.dma_semaphore, #tpu.memory_space<semaphore_mem>> -> memref<!tpu.dma_semaphore, #tpu.memory_space<semaphore_mem>>
          %dma_start3A_470 = arith.constant 0 : i32
          %dma_start3A_471 = arith.constant 0 : i32
          %dma_start3A_472 = tpu.memref_slice %run_scoped3A[%rem3A_459, %dma_start3A_470, %dma_start3A_471] : memref<2x1x128xi32, #tpu.memory_space<vmem>> -> memref<1x1x128xi32, #tpu.memory_space<vmem>>
          %dma_start3A_473 = tpu.memref_squeeze %dma_start3A_472 : memref<1x1x128xi32, #tpu.memory_space<vmem>> -> memref<1x128xi32, #tpu.memory_space<vmem>>
          %dma_start3A_474 = arith.constant 0 : i32
          %dma_start3A_475 = tpu.memref_slice %arg3[%mul3A_461, %dma_start3A_474] : memref<1568x128xi32, #tpu.memory_space<hbm>> -> memref<1x128xi32, #tpu.memory_space<hbm>>
          tpu.enqueue_dma source(%dma_start3A_475 : memref<1x128xi32, #tpu.memory_space<hbm>>) target(%dma_start3A_473 : memref<1x128xi32, #tpu.memory_space<vmem>>) target_semaphore(%dma_start3A_469 : memref<!tpu.dma_semaphore, #tpu.memory_space<semaphore_mem>>)
          "tpu.trace_stop"() : () -> ()
        } else {
        }
        %and3A_195 = arith.constant true
        %and3A_196 = arith.andi %and3A, %and3A_195 : i1
        %add3A_197 = arith.constant 1 : i32
        %add3A_198 = arith.addi %scan3A_150, %add3A_197 : i32
        %select_n3A_199 = arith.select %and3A_196, %add3A_198, %scan3A_150 : i32
        %ne3A_200 = arith.cmpi ne, %add3A_161, %add3A_179 : i32
        %or3A_201 = arith.constant false
        %or3A_202 = arith.ori %or3A_201, %ne3A_200 : i1
        %or3A_203 = arith.constant false
        %or3A_204 = arith.ori %or3A_202, %or3A_203 : i1
        %ge3A_205 = arith.constant 48 : i32
        %ge3A_206 = arith.cmpi sge, %scan3A_149, %ge3A_205 : i32
        %not3A_207 = arith.constant true
        %not3A_208 = arith.xori %ge3A_206, %not3A_207 : i1
        %and3A_209 = arith.andi %or3A_204, %not3A_208 : i1
        %convert_element_type3A_210 = arith.extui %and3A_209 : i1 to i32
        %cond3A_211 = arith.constant 0 : i32
        %cond3A_212 = arith.cmpi ne, %convert_element_type3A_210, %cond3A_211 : i32
        scf.if %cond3A_212 {
          "tpu.trace_start"() <{level = 10 : i32, message = "ep_copy_in"}> : () -> ()
          %rem3A_458 = arith.constant 2 : i32
          %rem3A_459 = arith.remui %scan3A_152, %rem3A_458 : i32
          %mul3A_460 = arith.constant 1 : i32
          %mul3A_461 = arith.muli %mul3A_460, %add3A_179 : i32
          %dma_start3A_462 = arith.constant 0 : i32
          %dma_start3A_463 = arith.constant 0 : i32
          %dma_start3A_464 = tpu.memref_slice %run_scoped3A_8[%rem3A_459, %dma_start3A_462, %dma_start3A_463] : memref<2x1x128xf32, #tpu.memory_space<vmem>> -> memref<1x1x128xf32, #tpu.memory_space<vmem>>
          %dma_start3A_465 = tpu.memref_squeeze %dma_start3A_464 : memref<1x1x128xf32, #tpu.memory_space<vmem>> -> memref<1x128xf32, #tpu.memory_space<vmem>>
          %dma_start3A_466 = arith.constant 0 : i32
          %dma_start3A_467 = tpu.memref_slice %arg4[%mul3A_461, %dma_start3A_466] : memref<1568x128xf32, #tpu.memory_space<hbm>> -> memref<1x128xf32, #tpu.memory_space<hbm>>
          %dma_start3A_468 = tpu.memref_slice %run_scoped3A_9[%rem3A_459] : memref<2x!tpu.dma_semaphore, #tpu.memory_space<semaphore_mem>> -> memref<1x!tpu.dma_semaphore, #tpu.memory_space<semaphore_mem>>
          %dma_start3A_469 = tpu.memref_squeeze %dma_start3A_468 : memref<1x!tpu.dma_semaphore, #tpu.memory_space<semaphore_mem>> -> memref<!tpu.dma_semaphore, #tpu.memory_space<semaphore_mem>>
          %dma_start3A_470 = arith.constant 0 : i32
          %dma_start3A_471 = arith.constant 0 : i32
          %dma_start3A_472 = tpu.memref_slice %run_scoped3A_8[%rem3A_459, %dma_start3A_470, %dma_start3A_471] : memref<2x1x128xf32, #tpu.memory_space<vmem>> -> memref<1x1x128xf32, #tpu.memory_space<vmem>>
          %dma_start3A_473 = tpu.memref_squeeze %dma_start3A_472 : memref<1x1x128xf32, #tpu.memory_space<vmem>> -> memref<1x128xf32, #tpu.memory_space<vmem>>
          %dma_start3A_474 = arith.constant 0 : i32
          %dma_start3A_475 = tpu.memref_slice %arg4[%mul3A_461, %dma_start3A_474] : memref<1568x128xf32, #tpu.memory_space<hbm>> -> memref<1x128xf32, #tpu.memory_space<hbm>>
          tpu.enqueue_dma source(%dma_start3A_475 : memref<1x128xf32, #tpu.memory_space<hbm>>) target(%dma_start3A_473 : memref<1x128xf32, #tpu.memory_space<vmem>>) target_semaphore(%dma_start3A_469 : memref<!tpu.dma_semaphore, #tpu.memory_space<semaphore_mem>>)
          "tpu.trace_stop"() : () -> ()
        } else {
        }
        %and3A_213 = arith.constant true
        %and3A_214 = arith.andi %and3A_209, %and3A_213 : i1
        %add3A_215 = arith.constant 1 : i32
        %add3A_216 = arith.addi %scan3A_152, %add3A_215 : i32
        %select_n3A_217 = arith.select %and3A_214, %add3A_216, %scan3A_152 : i32
        %ne3A_218 = arith.cmpi ne, %add3A_161, %add3A_179 : i32
        %or3A_219 = arith.constant false
        %or3A_220 = arith.ori %or3A_219, %ne3A_218 : i1
        %or3A_221 = arith.constant false
        %or3A_222 = arith.ori %or3A_220, %or3A_221 : i1
        %ge3A_223 = arith.constant 48 : i32
        %ge3A_224 = arith.cmpi sge, %scan3A_149, %ge3A_223 : i32
        %not3A_225 = arith.constant true
        %not3A_226 = arith.xori %ge3A_224, %not3A_225 : i1
        %and3A_227 = arith.andi %or3A_222, %not3A_226 : i1
        %ne3A_228 = arith.cmpi ne, %add3A_161, %add3A_170 : i32
        %or3A_229 = arith.constant false
        %or3A_230 = arith.ori %or3A_229, %ne3A_228 : i1
        %or3A_231 = arith.constant false
        %or3A_232 = arith.ori %or3A_230, %or3A_231 : i1
        %or3A_233 = arith.ori %or3A_232, %eq3A_158 : i1
        %convert_element_type3A_234 = arith.extui %or3A_233 : i1 to i32
        %cond3A_235 = arith.constant 0 : i32
        %cond3A_236 = arith.cmpi ne, %convert_element_type3A_234, %cond3A_235 : i32
        scf.if %cond3A_236 {
          "tpu.trace_start"() <{level = 10 : i32, message = "ep_wait_in"}> : () -> ()
          %mul3A_458 = arith.constant 1 : i32
          %mul3A_459 = arith.muli %mul3A_458, %add3A_161 : i32
          %rem3A_460 = arith.constant 2 : i32
          %rem3A_461 = arith.remui %scan3A_151, %rem3A_460 : i32
          %dma_wait3A_462 = arith.constant 0 : i32
          %dma_wait3A_463 = arith.constant 0 : i32
          %dma_wait3A_464 = tpu.memref_slice %run_scoped3A[%rem3A_461, %dma_wait3A_462, %dma_wait3A_463] : memref<2x1x128xi32, #tpu.memory_space<vmem>> -> memref<1x1x128xi32, #tpu.memory_space<vmem>>
          %dma_wait3A_465 = tpu.memref_squeeze %dma_wait3A_464 : memref<1x1x128xi32, #tpu.memory_space<vmem>> -> memref<1x128xi32, #tpu.memory_space<vmem>>
          %dma_wait3A_466 = arith.constant 0 : i32
          %dma_wait3A_467 = tpu.memref_slice %arg3[%mul3A_459, %dma_wait3A_466] : memref<1568x128xi32, #tpu.memory_space<hbm>> -> memref<1x128xi32, #tpu.memory_space<hbm>>
          %dma_wait3A_468 = tpu.memref_slice %run_scoped3A_7[%rem3A_461] : memref<2x!tpu.dma_semaphore, #tpu.memory_space<semaphore_mem>> -> memref<1x!tpu.dma_semaphore, #tpu.memory_space<semaphore_mem>>
          %dma_wait3A_469 = tpu.memref_squeeze %dma_wait3A_468 : memref<1x!tpu.dma_semaphore, #tpu.memory_space<semaphore_mem>> -> memref<!tpu.dma_semaphore, #tpu.memory_space<semaphore_mem>>
          %dma_wait3A_470 = arith.constant 0 : i32
          %dma_wait3A_471 = arith.constant 0 : i32
          %dma_wait3A_472 = tpu.memref_slice %run_scoped3A[%rem3A_461, %dma_wait3A_470, %dma_wait3A_471] : memref<2x1x128xi32, #tpu.memory_space<vmem>> -> memref<1x1x128xi32, #tpu.memory_space<vmem>>
          %dma_wait3A_473 = tpu.memref_squeeze %dma_wait3A_472 : memref<1x1x128xi32, #tpu.memory_space<vmem>> -> memref<1x128xi32, #tpu.memory_space<vmem>>
          %dma_wait3A_474 = arith.constant 0 : i32
          %dma_wait3A_475 = tpu.memref_slice %arg3[%mul3A_459, %dma_wait3A_474] : memref<1568x128xi32, #tpu.memory_space<hbm>> -> memref<1x128xi32, #tpu.memory_space<hbm>>
          tpu.wait_dma2 semaphore(%dma_wait3A_469 : memref<!tpu.dma_semaphore, #tpu.memory_space<semaphore_mem>>) src(%dma_wait3A_475 : memref<1x128xi32, #tpu.memory_space<hbm>>) dst(%dma_wait3A_473 : memref<1x128xi32, #tpu.memory_space<vmem>>)
          "tpu.trace_stop"() : () -> ()
        } else {
        }
        %ne3A_237 = arith.cmpi ne, %add3A_161, %add3A_170 : i32
        %or3A_238 = arith.constant false
        %or3A_239 = arith.ori %or3A_238, %ne3A_237 : i1
        %or3A_240 = arith.constant false
        %or3A_241 = arith.ori %or3A_239, %or3A_240 : i1
        %or3A_242 = arith.ori %or3A_241, %eq3A_158 : i1
        %convert_element_type3A_243 = arith.extui %or3A_242 : i1 to i32
        %cond3A_244 = arith.constant 0 : i32
        %cond3A_245 = arith.cmpi ne, %convert_element_type3A_243, %cond3A_244 : i32
        scf.if %cond3A_245 {
          "tpu.trace_start"() <{level = 10 : i32, message = "ep_wait_in"}> : () -> ()
          %mul3A_458 = arith.constant 1 : i32
          %mul3A_459 = arith.muli %mul3A_458, %add3A_161 : i32
          %rem3A_460 = arith.constant 2 : i32
          %rem3A_461 = arith.remui %scan3A_153, %rem3A_460 : i32
          %dma_wait3A_462 = arith.constant 0 : i32
          %dma_wait3A_463 = arith.constant 0 : i32
          %dma_wait3A_464 = tpu.memref_slice %run_scoped3A_8[%rem3A_461, %dma_wait3A_462, %dma_wait3A_463] : memref<2x1x128xf32, #tpu.memory_space<vmem>> -> memref<1x1x128xf32, #tpu.memory_space<vmem>>
          %dma_wait3A_465 = tpu.memref_squeeze %dma_wait3A_464 : memref<1x1x128xf32, #tpu.memory_space<vmem>> -> memref<1x128xf32, #tpu.memory_space<vmem>>
          %dma_wait3A_466 = arith.constant 0 : i32
          %dma_wait3A_467 = tpu.memref_slice %arg4[%mul3A_459, %dma_wait3A_466] : memref<1568x128xf32, #tpu.memory_space<hbm>> -> memref<1x128xf32, #tpu.memory_space<hbm>>
          %dma_wait3A_468 = tpu.memref_slice %run_scoped3A_9[%rem3A_461] : memref<2x!tpu.dma_semaphore, #tpu.memory_space<semaphore_mem>> -> memref<1x!tpu.dma_semaphore, #tpu.memory_space<semaphore_mem>>
          %dma_wait3A_469 = tpu.memref_squeeze %dma_wait3A_468 : memref<1x!tpu.dma_semaphore, #tpu.memory_space<semaphore_mem>> -> memref<!tpu.dma_semaphore, #tpu.memory_space<semaphore_mem>>
          %dma_wait3A_470 = arith.constant 0 : i32
          %dma_wait3A_471 = arith.constant 0 : i32
          %dma_wait3A_472 = tpu.memref_slice %run_scoped3A_8[%rem3A_461, %dma_wait3A_470, %dma_wait3A_471] : memref<2x1x128xf32, #tpu.memory_space<vmem>> -> memref<1x1x128xf32, #tpu.memory_space<vmem>>
          %dma_wait3A_473 = tpu.memref_squeeze %dma_wait3A_472 : memref<1x1x128xf32, #tpu.memory_space<vmem>> -> memref<1x128xf32, #tpu.memory_space<vmem>>
          %dma_wait3A_474 = arith.constant 0 : i32
          %dma_wait3A_475 = tpu.memref_slice %arg4[%mul3A_459, %dma_wait3A_474] : memref<1568x128xf32, #tpu.memory_space<hbm>> -> memref<1x128xf32, #tpu.memory_space<hbm>>
          tpu.wait_dma2 semaphore(%dma_wait3A_469 : memref<!tpu.dma_semaphore, #tpu.memory_space<semaphore_mem>>) src(%dma_wait3A_475 : memref<1x128xf32, #tpu.memory_space<hbm>>) dst(%dma_wait3A_473 : memref<1x128xf32, #tpu.memory_space<vmem>>)
          "tpu.trace_stop"() : () -> ()
        } else {
        }
        %ne3A_246 = arith.cmpi ne, %add3A_161, %add3A_170 : i32
        %or3A_247 = arith.constant false
        %or3A_248 = arith.ori %or3A_247, %ne3A_246 : i1
        %or3A_249 = arith.constant false
        %or3A_250 = arith.ori %or3A_248, %or3A_249 : i1
        %or3A_251 = arith.ori %or3A_250, %eq3A_158 : i1
        %convert_element_type3A_252 = arith.extui %or3A_251 : i1 to i32
        %cond3A_253 = arith.constant 0 : i32
        %cond3A_254 = arith.cmpi ne, %convert_element_type3A_252, %cond3A_253 : i32
        scf.if %cond3A_254 {
        } else {
        }
        %rem3A_255 = arith.constant 2 : i32
        %rem3A_256 = arith.remui %scan3A_151, %rem3A_255 : i32
        %rem3A_257 = arith.constant 2 : i32
        %rem3A_258 = arith.remui %scan3A_153, %rem3A_257 : i32
        %rem3A_259 = arith.constant 2 : i32
        %rem3A_260 = arith.remui %scan3A_154, %rem3A_259 : i32
        %dma_start3A_261 = arith.constant 0 : i32
        "tpu.trace_start"() <{level = 10 : i32, message = "ep_run_kernel"}> : () -> ()
        %dma_start3A_262 = arith.constant 0 : i32
        %dma_start3A_263 = arith.constant 0 : i32
        %dma_start3A_264 = tpu.memref_slice %run_scoped3A[%rem3A_256, %dma_start3A_262, %dma_start3A_263] : memref<2x1x128xi32, #tpu.memory_space<vmem>> -> memref<1x1x128xi32, #tpu.memory_space<vmem>>
        %dma_start3A_265 = tpu.memref_squeeze %dma_start3A_264 : memref<1x1x128xi32, #tpu.memory_space<vmem>> -> memref<1x128xi32, #tpu.memory_space<vmem>>
        %dma_start3A_266 = arith.constant 0 : i32
        %dma_start3A_267 = tpu.memref_slice %dma_start3A_265[%dma_start3A_261, %dma_start3A_266] : memref<1x128xi32, #tpu.memory_space<vmem>> -> memref<1x32xi32, #tpu.memory_space<vmem>>
        %dma_start3A_268 = tpu.memref_squeeze %dma_start3A_267 : memref<1x32xi32, #tpu.memory_space<vmem>> -> memref<32xi32, #tpu.memory_space<vmem>>
        %dma_start3A_269 = arith.constant 0 : i32
        %dma_start3A_270 = arith.constant 0 : i32
        %dma_start3A_271 = tpu.memref_slice %arg2[%dma_start3A_269, %dma_start3A_270] : memref<32768x256xf32, #tpu.memory_space<hbm>> -> memref<32768x256xf32, #tpu.memory_space<hbm>>
        tpu.enqueue_indirect_dma source(%dma_start3A_271 : memref<32768x256xf32, #tpu.memory_space<hbm>>) target(%arg6 : memref<32x256xf32, #tpu.memory_space<vmem>>) offsets(%dma_start3A_268 : memref<32xi32, #tpu.memory_space<vmem>>) semaphore(%arg10 : memref<!tpu.dma_semaphore, #tpu.memory_space<semaphore_mem>>)
        %dma_start3A_272 = arith.constant 0 : i32
        %dma_start3A_273 = arith.constant 0 : i32
        %dma_start3A_274 = arith.constant 0 : i32
        %dma_start3A_275 = tpu.memref_slice %run_scoped3A[%rem3A_256, %dma_start3A_273, %dma_start3A_274] : memref<2x1x128xi32, #tpu.memory_space<vmem>> -> memref<1x1x128xi32, #tpu.memory_space<vmem>>
        %dma_start3A_276 = tpu.memref_squeeze %dma_start3A_275 : memref<1x1x128xi32, #tpu.memory_space<vmem>> -> memref<1x128xi32, #tpu.memory_space<vmem>>
        %dma_start3A_277 = arith.constant 32 : i32
        %dma_start3A_278 = tpu.memref_slice %dma_start3A_276[%dma_start3A_272, %dma_start3A_277] : memref<1x128xi32, #tpu.memory_space<vmem>> -> memref<1x32xi32, #tpu.memory_space<vmem>>
        %dma_start3A_279 = tpu.memref_squeeze %dma_start3A_278 : memref<1x32xi32, #tpu.memory_space<vmem>> -> memref<32xi32, #tpu.memory_space<vmem>>
        %dma_start3A_280 = arith.constant 0 : i32
        %dma_start3A_281 = arith.constant 0 : i32
        %dma_start3A_282 = tpu.memref_slice %arg2[%dma_start3A_280, %dma_start3A_281] : memref<32768x256xf32, #tpu.memory_space<hbm>> -> memref<32768x256xf32, #tpu.memory_space<hbm>>
        tpu.enqueue_indirect_dma source(%dma_start3A_282 : memref<32768x256xf32, #tpu.memory_space<hbm>>) target(%arg7 : memref<32x256xf32, #tpu.memory_space<vmem>>) offsets(%dma_start3A_279 : memref<32xi32, #tpu.memory_space<vmem>>) semaphore(%arg10 : memref<!tpu.dma_semaphore, #tpu.memory_space<semaphore_mem>>)
        %dma_start3A_283 = arith.constant 0 : i32
        %dma_start3A_284 = arith.constant 0 : i32
        %dma_start3A_285 = arith.constant 0 : i32
        %dma_start3A_286 = tpu.memref_slice %run_scoped3A[%rem3A_256, %dma_start3A_284, %dma_start3A_285] : memref<2x1x128xi32, #tpu.memory_space<vmem>> -> memref<1x1x128xi32, #tpu.memory_space<vmem>>
        %dma_start3A_287 = tpu.memref_squeeze %dma_start3A_286 : memref<1x1x128xi32, #tpu.memory_space<vmem>> -> memref<1x128xi32, #tpu.memory_space<vmem>>
        %dma_start3A_288 = arith.constant 64 : i32
        %dma_start3A_289 = tpu.memref_slice %dma_start3A_287[%dma_start3A_283, %dma_start3A_288] : memref<1x128xi32, #tpu.memory_space<vmem>> -> memref<1x32xi32, #tpu.memory_space<vmem>>
        %dma_start3A_290 = tpu.memref_squeeze %dma_start3A_289 : memref<1x32xi32, #tpu.memory_space<vmem>> -> memref<32xi32, #tpu.memory_space<vmem>>
        %dma_start3A_291 = arith.constant 0 : i32
        %dma_start3A_292 = arith.constant 0 : i32
        %dma_start3A_293 = tpu.memref_slice %arg2[%dma_start3A_291, %dma_start3A_292] : memref<32768x256xf32, #tpu.memory_space<hbm>> -> memref<32768x256xf32, #tpu.memory_space<hbm>>
        tpu.enqueue_indirect_dma source(%dma_start3A_293 : memref<32768x256xf32, #tpu.memory_space<hbm>>) target(%arg8 : memref<32x256xf32, #tpu.memory_space<vmem>>) offsets(%dma_start3A_290 : memref<32xi32, #tpu.memory_space<vmem>>) semaphore(%arg10 : memref<!tpu.dma_semaphore, #tpu.memory_space<semaphore_mem>>)
        %dma_start3A_294 = arith.constant 0 : i32
        %dma_start3A_295 = arith.constant 0 : i32
        %dma_start3A_296 = arith.constant 0 : i32
        %dma_start3A_297 = tpu.memref_slice %run_scoped3A[%rem3A_256, %dma_start3A_295, %dma_start3A_296] : memref<2x1x128xi32, #tpu.memory_space<vmem>> -> memref<1x1x128xi32, #tpu.memory_space<vmem>>
        %dma_start3A_298 = tpu.memref_squeeze %dma_start3A_297 : memref<1x1x128xi32, #tpu.memory_space<vmem>> -> memref<1x128xi32, #tpu.memory_space<vmem>>
        %dma_start3A_299 = arith.constant 96 : i32
        %dma_start3A_300 = tpu.memref_slice %dma_start3A_298[%dma_start3A_294, %dma_start3A_299] : memref<1x128xi32, #tpu.memory_space<vmem>> -> memref<1x32xi32, #tpu.memory_space<vmem>>
        %dma_start3A_301 = tpu.memref_squeeze %dma_start3A_300 : memref<1x32xi32, #tpu.memory_space<vmem>> -> memref<32xi32, #tpu.memory_space<vmem>>
        %dma_start3A_302 = arith.constant 0 : i32
        %dma_start3A_303 = arith.constant 0 : i32
        %dma_start3A_304 = tpu.memref_slice %arg2[%dma_start3A_302, %dma_start3A_303] : memref<32768x256xf32, #tpu.memory_space<hbm>> -> memref<32768x256xf32, #tpu.memory_space<hbm>>
        tpu.enqueue_indirect_dma source(%dma_start3A_304 : memref<32768x256xf32, #tpu.memory_space<hbm>>) target(%arg9 : memref<32x256xf32, #tpu.memory_space<vmem>>) offsets(%dma_start3A_301 : memref<32xi32, #tpu.memory_space<vmem>>) semaphore(%arg10 : memref<!tpu.dma_semaphore, #tpu.memory_space<semaphore_mem>>)
        %dma_wait3A_305 = arith.constant 0 : i32
        %dma_wait3A_306 = arith.constant 0 : i32
        %dma_wait3A_307 = arith.constant 0 : i32
        %dma_wait3A_308 = tpu.memref_slice %run_scoped3A[%rem3A_256, %dma_wait3A_306, %dma_wait3A_307] : memref<2x1x128xi32, #tpu.memory_space<vmem>> -> memref<1x1x128xi32, #tpu.memory_space<vmem>>
        %dma_wait3A_309 = tpu.memref_squeeze %dma_wait3A_308 : memref<1x1x128xi32, #tpu.memory_space<vmem>> -> memref<1x128xi32, #tpu.memory_space<vmem>>
        %dma_wait3A_310 = arith.constant 0 : i32
        %dma_wait3A_311 = tpu.memref_slice %dma_wait3A_309[%dma_wait3A_305, %dma_wait3A_310] : memref<1x128xi32, #tpu.memory_space<vmem>> -> memref<1x32xi32, #tpu.memory_space<vmem>>
        %dma_wait3A_312 = tpu.memref_squeeze %dma_wait3A_311 : memref<1x32xi32, #tpu.memory_space<vmem>> -> memref<32xi32, #tpu.memory_space<vmem>>
        %dma_wait3A_313 = arith.constant 0 : i32
        %dma_wait3A_314 = arith.constant 0 : i32
        %dma_wait3A_315 = tpu.memref_slice %arg2[%dma_wait3A_313, %dma_wait3A_314] : memref<32768x256xf32, #tpu.memory_space<hbm>> -> memref<32768x256xf32, #tpu.memory_space<hbm>>
        tpu.wait_indirect_dma semaphore(%arg10 : memref<!tpu.dma_semaphore, #tpu.memory_space<semaphore_mem>>) src(%dma_wait3A_315 : memref<32768x256xf32, #tpu.memory_space<hbm>>) dst(%arg6 : memref<32x256xf32, #tpu.memory_space<vmem>>)
        %dma_wait3A_316 = arith.constant 0 : i32
        %dma_wait3A_317 = arith.constant 0 : i32
        %dma_wait3A_318 = arith.constant 0 : i32
        %dma_wait3A_319 = tpu.memref_slice %run_scoped3A[%rem3A_256, %dma_wait3A_317, %dma_wait3A_318] : memref<2x1x128xi32, #tpu.memory_space<vmem>> -> memref<1x1x128xi32, #tpu.memory_space<vmem>>
        %dma_wait3A_320 = tpu.memref_squeeze %dma_wait3A_319 : memref<1x1x128xi32, #tpu.memory_space<vmem>> -> memref<1x128xi32, #tpu.memory_space<vmem>>
        %dma_wait3A_321 = arith.constant 32 : i32
        %dma_wait3A_322 = tpu.memref_slice %dma_wait3A_320[%dma_wait3A_316, %dma_wait3A_321] : memref<1x128xi32, #tpu.memory_space<vmem>> -> memref<1x32xi32, #tpu.memory_space<vmem>>
        %dma_wait3A_323 = tpu.memref_squeeze %dma_wait3A_322 : memref<1x32xi32, #tpu.memory_space<vmem>> -> memref<32xi32, #tpu.memory_space<vmem>>
        %dma_wait3A_324 = arith.constant 0 : i32
        %dma_wait3A_325 = arith.constant 0 : i32
        %dma_wait3A_326 = tpu.memref_slice %arg2[%dma_wait3A_324, %dma_wait3A_325] : memref<32768x256xf32, #tpu.memory_space<hbm>> -> memref<32768x256xf32, #tpu.memory_space<hbm>>
        tpu.wait_indirect_dma semaphore(%arg10 : memref<!tpu.dma_semaphore, #tpu.memory_space<semaphore_mem>>) src(%dma_wait3A_326 : memref<32768x256xf32, #tpu.memory_space<hbm>>) dst(%arg7 : memref<32x256xf32, #tpu.memory_space<vmem>>)
        %dma_wait3A_327 = arith.constant 0 : i32
        %dma_wait3A_328 = arith.constant 0 : i32
        %dma_wait3A_329 = arith.constant 0 : i32
        %dma_wait3A_330 = tpu.memref_slice %run_scoped3A[%rem3A_256, %dma_wait3A_328, %dma_wait3A_329] : memref<2x1x128xi32, #tpu.memory_space<vmem>> -> memref<1x1x128xi32, #tpu.memory_space<vmem>>
        %dma_wait3A_331 = tpu.memref_squeeze %dma_wait3A_330 : memref<1x1x128xi32, #tpu.memory_space<vmem>> -> memref<1x128xi32, #tpu.memory_space<vmem>>
        %dma_wait3A_332 = arith.constant 64 : i32
        %dma_wait3A_333 = tpu.memref_slice %dma_wait3A_331[%dma_wait3A_327, %dma_wait3A_332] : memref<1x128xi32, #tpu.memory_space<vmem>> -> memref<1x32xi32, #tpu.memory_space<vmem>>
        %dma_wait3A_334 = tpu.memref_squeeze %dma_wait3A_333 : memref<1x32xi32, #tpu.memory_space<vmem>> -> memref<32xi32, #tpu.memory_space<vmem>>
        %dma_wait3A_335 = arith.constant 0 : i32
        %dma_wait3A_336 = arith.constant 0 : i32
        %dma_wait3A_337 = tpu.memref_slice %arg2[%dma_wait3A_335, %dma_wait3A_336] : memref<32768x256xf32, #tpu.memory_space<hbm>> -> memref<32768x256xf32, #tpu.memory_space<hbm>>
        tpu.wait_indirect_dma semaphore(%arg10 : memref<!tpu.dma_semaphore, #tpu.memory_space<semaphore_mem>>) src(%dma_wait3A_337 : memref<32768x256xf32, #tpu.memory_space<hbm>>) dst(%arg8 : memref<32x256xf32, #tpu.memory_space<vmem>>)
        %dma_wait3A_338 = arith.constant 0 : i32
        %dma_wait3A_339 = arith.constant 0 : i32
        %dma_wait3A_340 = arith.constant 0 : i32
        %dma_wait3A_341 = tpu.memref_slice %run_scoped3A[%rem3A_256, %dma_wait3A_339, %dma_wait3A_340] : memref<2x1x128xi32, #tpu.memory_space<vmem>> -> memref<1x1x128xi32, #tpu.memory_space<vmem>>
        %dma_wait3A_342 = tpu.memref_squeeze %dma_wait3A_341 : memref<1x1x128xi32, #tpu.memory_space<vmem>> -> memref<1x128xi32, #tpu.memory_space<vmem>>
        %dma_wait3A_343 = arith.constant 96 : i32
        %dma_wait3A_344 = tpu.memref_slice %dma_wait3A_342[%dma_wait3A_338, %dma_wait3A_343] : memref<1x128xi32, #tpu.memory_space<vmem>> -> memref<1x32xi32, #tpu.memory_space<vmem>>
        %dma_wait3A_345 = tpu.memref_squeeze %dma_wait3A_344 : memref<1x32xi32, #tpu.memory_space<vmem>> -> memref<32xi32, #tpu.memory_space<vmem>>
        %dma_wait3A_346 = arith.constant 0 : i32
        %dma_wait3A_347 = arith.constant 0 : i32
        %dma_wait3A_348 = tpu.memref_slice %arg2[%dma_wait3A_346, %dma_wait3A_347] : memref<32768x256xf32, #tpu.memory_space<hbm>> -> memref<32768x256xf32, #tpu.memory_space<hbm>>
        tpu.wait_indirect_dma semaphore(%arg10 : memref<!tpu.dma_semaphore, #tpu.memory_space<semaphore_mem>>) src(%dma_wait3A_348 : memref<32768x256xf32, #tpu.memory_space<hbm>>) dst(%arg9 : memref<32x256xf32, #tpu.memory_space<vmem>>)
        %scan3A_349 = arith.constant 0 : i32
        %scan3A_350 = arith.constant 32 : i32
        %scan3A_351 = arith.addi %scan3A_349, %scan3A_350 : i32
        %scan3A_352 = arith.constant 1 : i32
        scf.for %scan3A_458 = %scan3A_349 to %scan3A_351 step %scan3A_352  : i32 {
          %mul3A_459 = arith.constant 1 : i32
          %mul3A_460 = arith.muli %scan3A_458, %mul3A_459 : i32
          %add3A_461 = arith.constant 0 : i32
          %add3A_462 = arith.addi %add3A_461, %mul3A_460 : i32
          %broadcast_in_dim3A = vector.broadcast %add3A_462 : i32 to vector<16xi32>
          %broadcast_in_dim3A_463 = arith.constant 0 : i32
          %broadcast_in_dim3A_464 = vector.broadcast %broadcast_in_dim3A_463 : i32 to vector<16xi32>
          %gather3A = arith.constant 0 : i32
          %gather3A_465 = arith.constant 0 : i32
          %gather3A_466 = tpu.memref_slice %run_scoped3A_8[%rem3A_258, %gather3A, %gather3A_465] : memref<2x1x128xf32, #tpu.memory_space<vmem>> -> memref<1x1x128xf32, #tpu.memory_space<vmem>>
          %gather3A_467 = tpu.memref_squeeze %gather3A_466 : memref<1x1x128xf32, #tpu.memory_space<vmem>> -> memref<1x128xf32, #tpu.memory_space<vmem>>
          %gather3A_468 = tpu.vector_load_idx %gather3A_467[%broadcast_in_dim3A_464, %broadcast_in_dim3A] : memref<1x128xf32, #tpu.memory_space<vmem>>[vector<16xi32>, vector<16xi32>], vector<16xf32>,
          %add3A_469 = arith.constant 32 : i32
          %add3A_470 = vector.broadcast %add3A_469 : i32 to vector<16xi32>
          %add3A_471 = arith.addi %broadcast_in_dim3A, %add3A_470 : vector<16xi32>
          %gather3A_472 = arith.constant 0 : i32
          %gather3A_473 = arith.constant 0 : i32
          %gather3A_474 = tpu.memref_slice %run_scoped3A_8[%rem3A_258, %gather3A_472, %gather3A_473] : memref<2x1x128xf32, #tpu.memory_space<vmem>> -> memref<1x1x128xf32, #tpu.memory_space<vmem>>
          %gather3A_475 = tpu.memref_squeeze %gather3A_474 : memref<1x1x128xf32, #tpu.memory_space<vmem>> -> memref<1x128xf32, #tpu.memory_space<vmem>>
          %gather3A_476 = tpu.vector_load_idx %gather3A_475[%broadcast_in_dim3A_464, %add3A_471] : memref<1x128xf32, #tpu.memory_space<vmem>>[vector<16xi32>, vector<16xi32>], vector<16xf32>,
          %add3A_477 = arith.constant 64 : i32
          %add3A_478 = vector.broadcast %add3A_477 : i32 to vector<16xi32>
          %add3A_479 = arith.addi %broadcast_in_dim3A, %add3A_478 : vector<16xi32>
          %gather3A_480 = arith.constant 0 : i32
          %gather3A_481 = arith.constant 0 : i32
          %gather3A_482 = tpu.memref_slice %run_scoped3A_8[%rem3A_258, %gather3A_480, %gather3A_481] : memref<2x1x128xf32, #tpu.memory_space<vmem>> -> memref<1x1x128xf32, #tpu.memory_space<vmem>>
          %gather3A_483 = tpu.memref_squeeze %gather3A_482 : memref<1x1x128xf32, #tpu.memory_space<vmem>> -> memref<1x128xf32, #tpu.memory_space<vmem>>
          %gather3A_484 = tpu.vector_load_idx %gather3A_483[%broadcast_in_dim3A_464, %add3A_479] : memref<1x128xf32, #tpu.memory_space<vmem>>[vector<16xi32>, vector<16xi32>], vector<16xf32>,
          %add3A_485 = arith.constant 96 : i32
          %add3A_486 = vector.broadcast %add3A_485 : i32 to vector<16xi32>
          %add3A_487 = arith.addi %broadcast_in_dim3A, %add3A_486 : vector<16xi32>
          %gather3A_488 = arith.constant 0 : i32
          %gather3A_489 = arith.constant 0 : i32
          %gather3A_490 = tpu.memref_slice %run_scoped3A_8[%rem3A_258, %gather3A_488, %gather3A_489] : memref<2x1x128xf32, #tpu.memory_space<vmem>> -> memref<1x1x128xf32, #tpu.memory_space<vmem>>
          %gather3A_491 = tpu.memref_squeeze %gather3A_490 : memref<1x1x128xf32, #tpu.memory_space<vmem>> -> memref<1x128xf32, #tpu.memory_space<vmem>>
          %gather3A_492 = tpu.vector_load_idx %gather3A_491[%broadcast_in_dim3A_464, %add3A_487] : memref<1x128xf32, #tpu.memory_space<vmem>>[vector<16xi32>, vector<16xi32>], vector<16xf32>,
          %get3A = arith.index_cast %add3A_462 : i32 to index
          %get3A_493 = arith.constant 0 : index
          %get3A_494 = tpu.vector_load %arg6[%get3A, %get3A_493] {strides = array<i32>} : memref<32x256xf32, #tpu.memory_space<vmem>>, vector<16xf32>,
          %mul3A_495 = arith.mulf %gather3A_468, %get3A_494 : vector<16xf32>
          %get3A_496 = arith.index_cast %add3A_462 : i32 to index
          %get3A_497 = arith.constant 0 : index
          %get3A_498 = tpu.vector_load %arg7[%get3A_496, %get3A_497] {strides = array<i32>} : memref<32x256xf32, #tpu.memory_space<vmem>>, vector<16xf32>,
          %mul3A_499 = arith.mulf %gather3A_476, %get3A_498 : vector<16xf32>
          %add3A_500 = arith.addf %mul3A_495, %mul3A_499 : vector<16xf32>
          %get3A_501 = arith.index_cast %add3A_462 : i32 to index
          %get3A_502 = arith.constant 0 : index
          %get3A_503 = tpu.vector_load %arg8[%get3A_501, %get3A_502] {strides = array<i32>} : memref<32x256xf32, #tpu.memory_space<vmem>>, vector<16xf32>,
          %mul3A_504 = arith.mulf %gather3A_484, %get3A_503 : vector<16xf32>
          %add3A_505 = arith.addf %add3A_500, %mul3A_504 : vector<16xf32>
          %get3A_506 = arith.index_cast %add3A_462 : i32 to index
          %get3A_507 = arith.constant 0 : index
          %get3A_508 = tpu.vector_load %arg9[%get3A_506, %get3A_507] {strides = array<i32>} : memref<32x256xf32, #tpu.memory_space<vmem>>, vector<16xf32>,
          %mul3A_509 = arith.mulf %gather3A_492, %get3A_508 : vector<16xf32>
          %add3A_510 = arith.addf %add3A_505, %mul3A_509 : vector<16xf32>
          %swap3A = arith.constant 0 : i32
          %swap3A_511 = arith.constant 0 : i32
          %swap3A_512 = tpu.memref_slice %run_scoped3A_10[%rem3A_260, %swap3A, %swap3A_511] : memref<2x32x256xf32, #tpu.memory_space<vmem>> -> memref<1x32x256xf32, #tpu.memory_space<vmem>>
          %swap3A_513 = tpu.memref_squeeze %swap3A_512 : memref<1x32x256xf32, #tpu.memory_space<vmem>> -> memref<32x256xf32, #tpu.memory_space<vmem>>
          %swap3A_514 = arith.index_cast %add3A_462 : i32 to index
          %swap3A_515 = arith.constant 0 : index
          %swap3A_516 = tpu.vector_load %swap3A_513[%swap3A_514, %swap3A_515] {strides = array<i32>} : memref<32x256xf32, #tpu.memory_space<vmem>>, vector<16xf32>,
          tpu.vector_store %swap3A_513[%swap3A_514, %swap3A_515], %add3A_510 {strides = array<i32>} : memref<32x256xf32, #tpu.memory_space<vmem>>, vector<16xf32>,
          %get3A_517 = arith.index_cast %add3A_462 : i32 to index
          %get3A_518 = arith.constant 16 : index
          %get3A_519 = tpu.vector_load %arg6[%get3A_517, %get3A_518] {strides = array<i32>} : memref<32x256xf32, #tpu.memory_space<vmem>>, vector<16xf32>,
          %mul3A_520 = arith.mulf %gather3A_468, %get3A_519 : vector<16xf32>
          %get3A_521 = arith.index_cast %add3A_462 : i32 to index
          %get3A_522 = arith.constant 16 : index
          %get3A_523 = tpu.vector_load %arg7[%get3A_521, %get3A_522] {strides = array<i32>} : memref<32x256xf32, #tpu.memory_space<vmem>>, vector<16xf32>,
          %mul3A_524 = arith.mulf %gather3A_476, %get3A_523 : vector<16xf32>
          %add3A_525 = arith.addf %mul3A_520, %mul3A_524 : vector<16xf32>
          %get3A_526 = arith.index_cast %add3A_462 : i32 to index
          %get3A_527 = arith.constant 16 : index
          %get3A_528 = tpu.vector_load %arg8[%get3A_526, %get3A_527] {strides = array<i32>} : memref<32x256xf32, #tpu.memory_space<vmem>>, vector<16xf32>,
          %mul3A_529 = arith.mulf %gather3A_484, %get3A_528 : vector<16xf32>
          %add3A_530 = arith.addf %add3A_525, %mul3A_529 : vector<16xf32>
          %get3A_531 = arith.index_cast %add3A_462 : i32 to index
          %get3A_532 = arith.constant 16 : index
          %get3A_533 = tpu.vector_load %arg9[%get3A_531, %get3A_532] {strides = array<i32>} : memref<32x256xf32, #tpu.memory_space<vmem>>, vector<16xf32>,
          %mul3A_534 = arith.mulf %gather3A_492, %get3A_533 : vector<16xf32>
          %add3A_535 = arith.addf %add3A_530, %mul3A_534 : vector<16xf32>
          %swap3A_536 = arith.constant 0 : i32
          %swap3A_537 = arith.constant 0 : i32
          %swap3A_538 = tpu.memref_slice %run_scoped3A_10[%rem3A_260, %swap3A_536, %swap3A_537] : memref<2x32x256xf32, #tpu.memory_space<vmem>> -> memref<1x32x256xf32, #tpu.memory_space<vmem>>
          %swap3A_539 = tpu.memref_squeeze %swap3A_538 : memref<1x32x256xf32, #tpu.memory_space<vmem>> -> memref<32x256xf32, #tpu.memory_space<vmem>>
          %swap3A_540 = arith.index_cast %add3A_462 : i32 to index
          %swap3A_541 = arith.constant 16 : index
          %swap3A_542 = tpu.vector_load %swap3A_539[%swap3A_540, %swap3A_541] {strides = array<i32>} : memref<32x256xf32, #tpu.memory_space<vmem>>, vector<16xf32>,
          tpu.vector_store %swap3A_539[%swap3A_540, %swap3A_541], %add3A_535 {strides = array<i32>} : memref<32x256xf32, #tpu.memory_space<vmem>>, vector<16xf32>,
          %get3A_543 = arith.index_cast %add3A_462 : i32 to index
          %get3A_544 = arith.constant 32 : index
          %get3A_545 = tpu.vector_load %arg6[%get3A_543, %get3A_544] {strides = array<i32>} : memref<32x256xf32, #tpu.memory_space<vmem>>, vector<16xf32>,
          %mul3A_546 = arith.mulf %gather3A_468, %get3A_545 : vector<16xf32>
          %get3A_547 = arith.index_cast %add3A_462 : i32 to index
          %get3A_548 = arith.constant 32 : index
          %get3A_549 = tpu.vector_load %arg7[%get3A_547, %get3A_548] {strides = array<i32>} : memref<32x256xf32, #tpu.memory_space<vmem>>, vector<16xf32>,
          %mul3A_550 = arith.mulf %gather3A_476, %get3A_549 : vector<16xf32>
          %add3A_551 = arith.addf %mul3A_546, %mul3A_550 : vector<16xf32>
          %get3A_552 = arith.index_cast %add3A_462 : i32 to index
          %get3A_553 = arith.constant 32 : index
          %get3A_554 = tpu.vector_load %arg8[%get3A_552, %get3A_553] {strides = array<i32>} : memref<32x256xf32, #tpu.memory_space<vmem>>, vector<16xf32>,
          %mul3A_555 = arith.mulf %gather3A_484, %get3A_554 : vector<16xf32>
          %add3A_556 = arith.addf %add3A_551, %mul3A_555 : vector<16xf32>
          %get3A_557 = arith.index_cast %add3A_462 : i32 to index
          %get3A_558 = arith.constant 32 : index
          %get3A_559 = tpu.vector_load %arg9[%get3A_557, %get3A_558] {strides = array<i32>} : memref<32x256xf32, #tpu.memory_space<vmem>>, vector<16xf32>,
          %mul3A_560 = arith.mulf %gather3A_492, %get3A_559 : vector<16xf32>
          %add3A_561 = arith.addf %add3A_556, %mul3A_560 : vector<16xf32>
          %swap3A_562 = arith.constant 0 : i32
          %swap3A_563 = arith.constant 0 : i32
          %swap3A_564 = tpu.memref_slice %run_scoped3A_10[%rem3A_260, %swap3A_562, %swap3A_563] : memref<2x32x256xf32, #tpu.memory_space<vmem>> -> memref<1x32x256xf32, #tpu.memory_space<vmem>>
          %swap3A_565 = tpu.memref_squeeze %swap3A_564 : memref<1x32x256xf32, #tpu.memory_space<vmem>> -> memref<32x256xf32, #tpu.memory_space<vmem>>
          %swap3A_566 = arith.index_cast %add3A_462 : i32 to index
          %swap3A_567 = arith.constant 32 : index
          %swap3A_568 = tpu.vector_load %swap3A_565[%swap3A_566, %swap3A_567] {strides = array<i32>} : memref<32x256xf32, #tpu.memory_space<vmem>>, vector<16xf32>,
          tpu.vector_store %swap3A_565[%swap3A_566, %swap3A_567], %add3A_561 {strides = array<i32>} : memref<32x256xf32, #tpu.memory_space<vmem>>, vector<16xf32>,
          %get3A_569 = arith.index_cast %add3A_462 : i32 to index
          %get3A_570 = arith.constant 48 : index
          %get3A_571 = tpu.vector_load %arg6[%get3A_569, %get3A_570] {strides = array<i32>} : memref<32x256xf32, #tpu.memory_space<vmem>>, vector<16xf32>,
          %mul3A_572 = arith.mulf %gather3A_468, %get3A_571 : vector<16xf32>
          %get3A_573 = arith.index_cast %add3A_462 : i32 to index
          %get3A_574 = arith.constant 48 : index
          %get3A_575 = tpu.vector_load %arg7[%get3A_573, %get3A_574] {strides = array<i32>} : memref<32x256xf32, #tpu.memory_space<vmem>>, vector<16xf32>,
          %mul3A_576 = arith.mulf %gather3A_476, %get3A_575 : vector<16xf32>
          %add3A_577 = arith.addf %mul3A_572, %mul3A_576 : vector<16xf32>
          %get3A_578 = arith.index_cast %add3A_462 : i32 to index
          %get3A_579 = arith.constant 48 : index
          %get3A_580 = tpu.vector_load %arg8[%get3A_578, %get3A_579] {strides = array<i32>} : memref<32x256xf32, #tpu.memory_space<vmem>>, vector<16xf32>,
          %mul3A_581 = arith.mulf %gather3A_484, %get3A_580 : vector<16xf32>
          %add3A_582 = arith.addf %add3A_577, %mul3A_581 : vector<16xf32>
          %get3A_583 = arith.index_cast %add3A_462 : i32 to index
          %get3A_584 = arith.constant 48 : index
          %get3A_585 = tpu.vector_load %arg9[%get3A_583, %get3A_584] {strides = array<i32>} : memref<32x256xf32, #tpu.memory_space<vmem>>, vector<16xf32>,
          %mul3A_586 = arith.mulf %gather3A_492, %get3A_585 : vector<16xf32>
          %add3A_587 = arith.addf %add3A_582, %mul3A_586 : vector<16xf32>
          %swap3A_588 = arith.constant 0 : i32
          %swap3A_589 = arith.constant 0 : i32
          %swap3A_590 = tpu.memref_slice %run_scoped3A_10[%rem3A_260, %swap3A_588, %swap3A_589] : memref<2x32x256xf32, #tpu.memory_space<vmem>> -> memref<1x32x256xf32, #tpu.memory_space<vmem>>
          %swap3A_591 = tpu.memref_squeeze %swap3A_590 : memref<1x32x256xf32, #tpu.memory_space<vmem>> -> memref<32x256xf32, #tpu.memory_space<vmem>>
          %swap3A_592 = arith.index_cast %add3A_462 : i32 to index
          %swap3A_593 = arith.constant 48 : index
          %swap3A_594 = tpu.vector_load %swap3A_591[%swap3A_592, %swap3A_593] {strides = array<i32>} : memref<32x256xf32, #tpu.memory_space<vmem>>, vector<16xf32>,
          tpu.vector_store %swap3A_591[%swap3A_592, %swap3A_593], %add3A_587 {strides = array<i32>} : memref<32x256xf32, #tpu.memory_space<vmem>>, vector<16xf32>,
          %get3A_595 = arith.index_cast %add3A_462 : i32 to index
          %get3A_596 = arith.constant 64 : index
          %get3A_597 = tpu.vector_load %arg6[%get3A_595, %get3A_596] {strides = array<i32>} : memref<32x256xf32, #tpu.memory_space<vmem>>, vector<16xf32>,
          %mul3A_598 = arith.mulf %gather3A_468, %get3A_597 : vector<16xf32>
          %get3A_599 = arith.index_cast %add3A_462 : i32 to index
          %get3A_600 = arith.constant 64 : index
          %get3A_601 = tpu.vector_load %arg7[%get3A_599, %get3A_600] {strides = array<i32>} : memref<32x256xf32, #tpu.memory_space<vmem>>, vector<16xf32>,
          %mul3A_602 = arith.mulf %gather3A_476, %get3A_601 : vector<16xf32>
          %add3A_603 = arith.addf %mul3A_598, %mul3A_602 : vector<16xf32>
          %get3A_604 = arith.index_cast %add3A_462 : i32 to index
          %get3A_605 = arith.constant 64 : index
          %get3A_606 = tpu.vector_load %arg8[%get3A_604, %get3A_605] {strides = array<i32>} : memref<32x256xf32, #tpu.memory_space<vmem>>, vector<16xf32>,
          %mul3A_607 = arith.mulf %gather3A_484, %get3A_606 : vector<16xf32>
          %add3A_608 = arith.addf %add3A_603, %mul3A_607 : vector<16xf32>
          %get3A_609 = arith.index_cast %add3A_462 : i32 to index
          %get3A_610 = arith.constant 64 : index
          %get3A_611 = tpu.vector_load %arg9[%get3A_609, %get3A_610] {strides = array<i32>} : memref<32x256xf32, #tpu.memory_space<vmem>>, vector<16xf32>,
          %mul3A_612 = arith.mulf %gather3A_492, %get3A_611 : vector<16xf32>
          %add3A_613 = arith.addf %add3A_608, %mul3A_612 : vector<16xf32>
          %swap3A_614 = arith.constant 0 : i32
          %swap3A_615 = arith.constant 0 : i32
          %swap3A_616 = tpu.memref_slice %run_scoped3A_10[%rem3A_260, %swap3A_614, %swap3A_615] : memref<2x32x256xf32, #tpu.memory_space<vmem>> -> memref<1x32x256xf32, #tpu.memory_space<vmem>>
          %swap3A_617 = tpu.memref_squeeze %swap3A_616 : memref<1x32x256xf32, #tpu.memory_space<vmem>> -> memref<32x256xf32, #tpu.memory_space<vmem>>
          %swap3A_618 = arith.index_cast %add3A_462 : i32 to index
          %swap3A_619 = arith.constant 64 : index
          %swap3A_620 = tpu.vector_load %swap3A_617[%swap3A_618, %swap3A_619] {strides = array<i32>} : memref<32x256xf32, #tpu.memory_space<vmem>>, vector<16xf32>,
          tpu.vector_store %swap3A_617[%swap3A_618, %swap3A_619], %add3A_613 {strides = array<i32>} : memref<32x256xf32, #tpu.memory_space<vmem>>, vector<16xf32>,
          %get3A_621 = arith.index_cast %add3A_462 : i32 to index
          %get3A_622 = arith.constant 80 : index
          %get3A_623 = tpu.vector_load %arg6[%get3A_621, %get3A_622] {strides = array<i32>} : memref<32x256xf32, #tpu.memory_space<vmem>>, vector<16xf32>,
          %mul3A_624 = arith.mulf %gather3A_468, %get3A_623 : vector<16xf32>
          %get3A_625 = arith.index_cast %add3A_462 : i32 to index
          %get3A_626 = arith.constant 80 : index
          %get3A_627 = tpu.vector_load %arg7[%get3A_625, %get3A_626] {strides = array<i32>} : memref<32x256xf32, #tpu.memory_space<vmem>>, vector<16xf32>,
          %mul3A_628 = arith.mulf %gather3A_476, %get3A_627 : vector<16xf32>
          %add3A_629 = arith.addf %mul3A_624, %mul3A_628 : vector<16xf32>
          %get3A_630 = arith.index_cast %add3A_462 : i32 to index
          %get3A_631 = arith.constant 80 : index
          %get3A_632 = tpu.vector_load %arg8[%get3A_630, %get3A_631] {strides = array<i32>} : memref<32x256xf32, #tpu.memory_space<vmem>>, vector<16xf32>,
          %mul3A_633 = arith.mulf %gather3A_484, %get3A_632 : vector<16xf32>
          %add3A_634 = arith.addf %add3A_629, %mul3A_633 : vector<16xf32>
          %get3A_635 = arith.index_cast %add3A_462 : i32 to index
          %get3A_636 = arith.constant 80 : index
          %get3A_637 = tpu.vector_load %arg9[%get3A_635, %get3A_636] {strides = array<i32>} : memref<32x256xf32, #tpu.memory_space<vmem>>, vector<16xf32>,
          %mul3A_638 = arith.mulf %gather3A_492, %get3A_637 : vector<16xf32>
          %add3A_639 = arith.addf %add3A_634, %mul3A_638 : vector<16xf32>
          %swap3A_640 = arith.constant 0 : i32
          %swap3A_641 = arith.constant 0 : i32
          %swap3A_642 = tpu.memref_slice %run_scoped3A_10[%rem3A_260, %swap3A_640, %swap3A_641] : memref<2x32x256xf32, #tpu.memory_space<vmem>> -> memref<1x32x256xf32, #tpu.memory_space<vmem>>
          %swap3A_643 = tpu.memref_squeeze %swap3A_642 : memref<1x32x256xf32, #tpu.memory_space<vmem>> -> memref<32x256xf32, #tpu.memory_space<vmem>>
          %swap3A_644 = arith.index_cast %add3A_462 : i32 to index
          %swap3A_645 = arith.constant 80 : index
          %swap3A_646 = tpu.vector_load %swap3A_643[%swap3A_644, %swap3A_645] {strides = array<i32>} : memref<32x256xf32, #tpu.memory_space<vmem>>, vector<16xf32>,
          tpu.vector_store %swap3A_643[%swap3A_644, %swap3A_645], %add3A_639 {strides = array<i32>} : memref<32x256xf32, #tpu.memory_space<vmem>>, vector<16xf32>,
          %get3A_647 = arith.index_cast %add3A_462 : i32 to index
          %get3A_648 = arith.constant 96 : index
          %get3A_649 = tpu.vector_load %arg6[%get3A_647, %get3A_648] {strides = array<i32>} : memref<32x256xf32, #tpu.memory_space<vmem>>, vector<16xf32>,
          %mul3A_650 = arith.mulf %gather3A_468, %get3A_649 : vector<16xf32>
          %get3A_651 = arith.index_cast %add3A_462 : i32 to index
          %get3A_652 = arith.constant 96 : index
          %get3A_653 = tpu.vector_load %arg7[%get3A_651, %get3A_652] {strides = array<i32>} : memref<32x256xf32, #tpu.memory_space<vmem>>, vector<16xf32>,
          %mul3A_654 = arith.mulf %gather3A_476, %get3A_653 : vector<16xf32>
          %add3A_655 = arith.addf %mul3A_650, %mul3A_654 : vector<16xf32>
          %get3A_656 = arith.index_cast %add3A_462 : i32 to index
          %get3A_657 = arith.constant 96 : index
          %get3A_658 = tpu.vector_load %arg8[%get3A_656, %get3A_657] {strides = array<i32>} : memref<32x256xf32, #tpu.memory_space<vmem>>, vector<16xf32>,
          %mul3A_659 = arith.mulf %gather3A_484, %get3A_658 : vector<16xf32>
          %add3A_660 = arith.addf %add3A_655, %mul3A_659 : vector<16xf32>
          %get3A_661 = arith.index_cast %add3A_462 : i32 to index
          %get3A_662 = arith.constant 96 : index
          %get3A_663 = tpu.vector_load %arg9[%get3A_661, %get3A_662] {strides = array<i32>} : memref<32x256xf32, #tpu.memory_space<vmem>>, vector<16xf32>,
          %mul3A_664 = arith.mulf %gather3A_492, %get3A_663 : vector<16xf32>
          %add3A_665 = arith.addf %add3A_660, %mul3A_664 : vector<16xf32>
          %swap3A_666 = arith.constant 0 : i32
          %swap3A_667 = arith.constant 0 : i32
          %swap3A_668 = tpu.memref_slice %run_scoped3A_10[%rem3A_260, %swap3A_666, %swap3A_667] : memref<2x32x256xf32, #tpu.memory_space<vmem>> -> memref<1x32x256xf32, #tpu.memory_space<vmem>>
          %swap3A_669 = tpu.memref_squeeze %swap3A_668 : memref<1x32x256xf32, #tpu.memory_space<vmem>> -> memref<32x256xf32, #tpu.memory_space<vmem>>
          %swap3A_670 = arith.index_cast %add3A_462 : i32 to index
          %swap3A_671 = arith.constant 96 : index
          %swap3A_672 = tpu.vector_load %swap3A_669[%swap3A_670, %swap3A_671] {strides = array<i32>} : memref<32x256xf32, #tpu.memory_space<vmem>>, vector<16xf32>,
          tpu.vector_store %swap3A_669[%swap3A_670, %swap3A_671], %add3A_665 {strides = array<i32>} : memref<32x256xf32, #tpu.memory_space<vmem>>, vector<16xf32>,
          %get3A_673 = arith.index_cast %add3A_462 : i32 to index
          %get3A_674 = arith.constant 112 : index
          %get3A_675 = tpu.vector_load %arg6[%get3A_673, %get3A_674] {strides = array<i32>} : memref<32x256xf32, #tpu.memory_space<vmem>>, vector<16xf32>,
          %mul3A_676 = arith.mulf %gather3A_468, %get3A_675 : vector<16xf32>
          %get3A_677 = arith.index_cast %add3A_462 : i32 to index
          %get3A_678 = arith.constant 112 : index
          %get3A_679 = tpu.vector_load %arg7[%get3A_677, %get3A_678] {strides = array<i32>} : memref<32x256xf32, #tpu.memory_space<vmem>>, vector<16xf32>,
          %mul3A_680 = arith.mulf %gather3A_476, %get3A_679 : vector<16xf32>
          %add3A_681 = arith.addf %mul3A_676, %mul3A_680 : vector<16xf32>
          %get3A_682 = arith.index_cast %add3A_462 : i32 to index
          %get3A_683 = arith.constant 112 : index
          %get3A_684 = tpu.vector_load %arg8[%get3A_682, %get3A_683] {strides = array<i32>} : memref<32x256xf32, #tpu.memory_space<vmem>>, vector<16xf32>,
          %mul3A_685 = arith.mulf %gather3A_484, %get3A_684 : vector<16xf32>
          %add3A_686 = arith.addf %add3A_681, %mul3A_685 : vector<16xf32>
          %get3A_687 = arith.index_cast %add3A_462 : i32 to index
          %get3A_688 = arith.constant 112 : index
          %get3A_689 = tpu.vector_load %arg9[%get3A_687, %get3A_688] {strides = array<i32>} : memref<32x256xf32, #tpu.memory_space<vmem>>, vector<16xf32>,
          %mul3A_690 = arith.mulf %gather3A_492, %get3A_689 : vector<16xf32>
          %add3A_691 = arith.addf %add3A_686, %mul3A_690 : vector<16xf32>
          %swap3A_692 = arith.constant 0 : i32
          %swap3A_693 = arith.constant 0 : i32
          %swap3A_694 = tpu.memref_slice %run_scoped3A_10[%rem3A_260, %swap3A_692, %swap3A_693] : memref<2x32x256xf32, #tpu.memory_space<vmem>> -> memref<1x32x256xf32, #tpu.memory_space<vmem>>
          %swap3A_695 = tpu.memref_squeeze %swap3A_694 : memref<1x32x256xf32, #tpu.memory_space<vmem>> -> memref<32x256xf32, #tpu.memory_space<vmem>>
          %swap3A_696 = arith.index_cast %add3A_462 : i32 to index
          %swap3A_697 = arith.constant 112 : index
          %swap3A_698 = tpu.vector_load %swap3A_695[%swap3A_696, %swap3A_697] {strides = array<i32>} : memref<32x256xf32, #tpu.memory_space<vmem>>, vector<16xf32>,
          tpu.vector_store %swap3A_695[%swap3A_696, %swap3A_697], %add3A_691 {strides = array<i32>} : memref<32x256xf32, #tpu.memory_space<vmem>>, vector<16xf32>,
          %get3A_699 = arith.index_cast %add3A_462 : i32 to index
          %get3A_700 = arith.constant 128 : index
          %get3A_701 = tpu.vector_load %arg6[%get3A_699, %get3A_700] {strides = array<i32>} : memref<32x256xf32, #tpu.memory_space<vmem>>, vector<16xf32>,
          %mul3A_702 = arith.mulf %gather3A_468, %get3A_701 : vector<16xf32>
          %get3A_703 = arith.index_cast %add3A_462 : i32 to index
          %get3A_704 = arith.constant 128 : index
          %get3A_705 = tpu.vector_load %arg7[%get3A_703, %get3A_704] {strides = array<i32>} : memref<32x256xf32, #tpu.memory_space<vmem>>, vector<16xf32>,
          %mul3A_706 = arith.mulf %gather3A_476, %get3A_705 : vector<16xf32>
          %add3A_707 = arith.addf %mul3A_702, %mul3A_706 : vector<16xf32>
          %get3A_708 = arith.index_cast %add3A_462 : i32 to index
          %get3A_709 = arith.constant 128 : index
          %get3A_710 = tpu.vector_load %arg8[%get3A_708, %get3A_709] {strides = array<i32>} : memref<32x256xf32, #tpu.memory_space<vmem>>, vector<16xf32>,
          %mul3A_711 = arith.mulf %gather3A_484, %get3A_710 : vector<16xf32>
          %add3A_712 = arith.addf %add3A_707, %mul3A_711 : vector<16xf32>
          %get3A_713 = arith.index_cast %add3A_462 : i32 to index
          %get3A_714 = arith.constant 128 : index
          %get3A_715 = tpu.vector_load %arg9[%get3A_713, %get3A_714] {strides = array<i32>} : memref<32x256xf32, #tpu.memory_space<vmem>>, vector<16xf32>,
          %mul3A_716 = arith.mulf %gather3A_492, %get3A_715 : vector<16xf32>
          %add3A_717 = arith.addf %add3A_712, %mul3A_716 : vector<16xf32>
          %swap3A_718 = arith.constant 0 : i32
          %swap3A_719 = arith.constant 0 : i32
          %swap3A_720 = tpu.memref_slice %run_scoped3A_10[%rem3A_260, %swap3A_718, %swap3A_719] : memref<2x32x256xf32, #tpu.memory_space<vmem>> -> memref<1x32x256xf32, #tpu.memory_space<vmem>>
          %swap3A_721 = tpu.memref_squeeze %swap3A_720 : memref<1x32x256xf32, #tpu.memory_space<vmem>> -> memref<32x256xf32, #tpu.memory_space<vmem>>
          %swap3A_722 = arith.index_cast %add3A_462 : i32 to index
          %swap3A_723 = arith.constant 128 : index
          %swap3A_724 = tpu.vector_load %swap3A_721[%swap3A_722, %swap3A_723] {strides = array<i32>} : memref<32x256xf32, #tpu.memory_space<vmem>>, vector<16xf32>,
          tpu.vector_store %swap3A_721[%swap3A_722, %swap3A_723], %add3A_717 {strides = array<i32>} : memref<32x256xf32, #tpu.memory_space<vmem>>, vector<16xf32>,
          %get3A_725 = arith.index_cast %add3A_462 : i32 to index
          %get3A_726 = arith.constant 144 : index
          %get3A_727 = tpu.vector_load %arg6[%get3A_725, %get3A_726] {strides = array<i32>} : memref<32x256xf32, #tpu.memory_space<vmem>>, vector<16xf32>,
          %mul3A_728 = arith.mulf %gather3A_468, %get3A_727 : vector<16xf32>
          %get3A_729 = arith.index_cast %add3A_462 : i32 to index
          %get3A_730 = arith.constant 144 : index
          %get3A_731 = tpu.vector_load %arg7[%get3A_729, %get3A_730] {strides = array<i32>} : memref<32x256xf32, #tpu.memory_space<vmem>>, vector<16xf32>,
          %mul3A_732 = arith.mulf %gather3A_476, %get3A_731 : vector<16xf32>
          %add3A_733 = arith.addf %mul3A_728, %mul3A_732 : vector<16xf32>
          %get3A_734 = arith.index_cast %add3A_462 : i32 to index
          %get3A_735 = arith.constant 144 : index
          %get3A_736 = tpu.vector_load %arg8[%get3A_734, %get3A_735] {strides = array<i32>} : memref<32x256xf32, #tpu.memory_space<vmem>>, vector<16xf32>,
          %mul3A_737 = arith.mulf %gather3A_484, %get3A_736 : vector<16xf32>
          %add3A_738 = arith.addf %add3A_733, %mul3A_737 : vector<16xf32>
          %get3A_739 = arith.index_cast %add3A_462 : i32 to index
          %get3A_740 = arith.constant 144 : index
          %get3A_741 = tpu.vector_load %arg9[%get3A_739, %get3A_740] {strides = array<i32>} : memref<32x256xf32, #tpu.memory_space<vmem>>, vector<16xf32>,
          %mul3A_742 = arith.mulf %gather3A_492, %get3A_741 : vector<16xf32>
          %add3A_743 = arith.addf %add3A_738, %mul3A_742 : vector<16xf32>
          %swap3A_744 = arith.constant 0 : i32
          %swap3A_745 = arith.constant 0 : i32
          %swap3A_746 = tpu.memref_slice %run_scoped3A_10[%rem3A_260, %swap3A_744, %swap3A_745] : memref<2x32x256xf32, #tpu.memory_space<vmem>> -> memref<1x32x256xf32, #tpu.memory_space<vmem>>
          %swap3A_747 = tpu.memref_squeeze %swap3A_746 : memref<1x32x256xf32, #tpu.memory_space<vmem>> -> memref<32x256xf32, #tpu.memory_space<vmem>>
          %swap3A_748 = arith.index_cast %add3A_462 : i32 to index
          %swap3A_749 = arith.constant 144 : index
          %swap3A_750 = tpu.vector_load %swap3A_747[%swap3A_748, %swap3A_749] {strides = array<i32>} : memref<32x256xf32, #tpu.memory_space<vmem>>, vector<16xf32>,
          tpu.vector_store %swap3A_747[%swap3A_748, %swap3A_749], %add3A_743 {strides = array<i32>} : memref<32x256xf32, #tpu.memory_space<vmem>>, vector<16xf32>,
          %get3A_751 = arith.index_cast %add3A_462 : i32 to index
          %get3A_752 = arith.constant 160 : index
          %get3A_753 = tpu.vector_load %arg6[%get3A_751, %get3A_752] {strides = array<i32>} : memref<32x256xf32, #tpu.memory_space<vmem>>, vector<16xf32>,
          %mul3A_754 = arith.mulf %gather3A_468, %get3A_753 : vector<16xf32>
          %get3A_755 = arith.index_cast %add3A_462 : i32 to index
          %get3A_756 = arith.constant 160 : index
          %get3A_757 = tpu.vector_load %arg7[%get3A_755, %get3A_756] {strides = array<i32>} : memref<32x256xf32, #tpu.memory_space<vmem>>, vector<16xf32>,
          %mul3A_758 = arith.mulf %gather3A_476, %get3A_757 : vector<16xf32>
          %add3A_759 = arith.addf %mul3A_754, %mul3A_758 : vector<16xf32>
          %get3A_760 = arith.index_cast %add3A_462 : i32 to index
          %get3A_761 = arith.constant 160 : index
          %get3A_762 = tpu.vector_load %arg8[%get3A_760, %get3A_761] {strides = array<i32>} : memref<32x256xf32, #tpu.memory_space<vmem>>, vector<16xf32>,
          %mul3A_763 = arith.mulf %gather3A_484, %get3A_762 : vector<16xf32>
          %add3A_764 = arith.addf %add3A_759, %mul3A_763 : vector<16xf32>
          %get3A_765 = arith.index_cast %add3A_462 : i32 to index
          %get3A_766 = arith.constant 160 : index
          %get3A_767 = tpu.vector_load %arg9[%get3A_765, %get3A_766] {strides = array<i32>} : memref<32x256xf32, #tpu.memory_space<vmem>>, vector<16xf32>,
          %mul3A_768 = arith.mulf %gather3A_492, %get3A_767 : vector<16xf32>
          %add3A_769 = arith.addf %add3A_764, %mul3A_768 : vector<16xf32>
          %swap3A_770 = arith.constant 0 : i32
          %swap3A_771 = arith.constant 0 : i32
          %swap3A_772 = tpu.memref_slice %run_scoped3A_10[%rem3A_260, %swap3A_770, %swap3A_771] : memref<2x32x256xf32, #tpu.memory_space<vmem>> -> memref<1x32x256xf32, #tpu.memory_space<vmem>>
          %swap3A_773 = tpu.memref_squeeze %swap3A_772 : memref<1x32x256xf32, #tpu.memory_space<vmem>> -> memref<32x256xf32, #tpu.memory_space<vmem>>
          %swap3A_774 = arith.index_cast %add3A_462 : i32 to index
          %swap3A_775 = arith.constant 160 : index
          %swap3A_776 = tpu.vector_load %swap3A_773[%swap3A_774, %swap3A_775] {strides = array<i32>} : memref<32x256xf32, #tpu.memory_space<vmem>>, vector<16xf32>,
          tpu.vector_store %swap3A_773[%swap3A_774, %swap3A_775], %add3A_769 {strides = array<i32>} : memref<32x256xf32, #tpu.memory_space<vmem>>, vector<16xf32>,
          %get3A_777 = arith.index_cast %add3A_462 : i32 to index
          %get3A_778 = arith.constant 176 : index
          %get3A_779 = tpu.vector_load %arg6[%get3A_777, %get3A_778] {strides = array<i32>} : memref<32x256xf32, #tpu.memory_space<vmem>>, vector<16xf32>,
          %mul3A_780 = arith.mulf %gather3A_468, %get3A_779 : vector<16xf32>
          %get3A_781 = arith.index_cast %add3A_462 : i32 to index
          %get3A_782 = arith.constant 176 : index
          %get3A_783 = tpu.vector_load %arg7[%get3A_781, %get3A_782] {strides = array<i32>} : memref<32x256xf32, #tpu.memory_space<vmem>>, vector<16xf32>,
          %mul3A_784 = arith.mulf %gather3A_476, %get3A_783 : vector<16xf32>
          %add3A_785 = arith.addf %mul3A_780, %mul3A_784 : vector<16xf32>
          %get3A_786 = arith.index_cast %add3A_462 : i32 to index
          %get3A_787 = arith.constant 176 : index
          %get3A_788 = tpu.vector_load %arg8[%get3A_786, %get3A_787] {strides = array<i32>} : memref<32x256xf32, #tpu.memory_space<vmem>>, vector<16xf32>,
          %mul3A_789 = arith.mulf %gather3A_484, %get3A_788 : vector<16xf32>
          %add3A_790 = arith.addf %add3A_785, %mul3A_789 : vector<16xf32>
          %get3A_791 = arith.index_cast %add3A_462 : i32 to index
          %get3A_792 = arith.constant 176 : index
          %get3A_793 = tpu.vector_load %arg9[%get3A_791, %get3A_792] {strides = array<i32>} : memref<32x256xf32, #tpu.memory_space<vmem>>, vector<16xf32>,
          %mul3A_794 = arith.mulf %gather3A_492, %get3A_793 : vector<16xf32>
          %add3A_795 = arith.addf %add3A_790, %mul3A_794 : vector<16xf32>
          %swap3A_796 = arith.constant 0 : i32
          %swap3A_797 = arith.constant 0 : i32
          %swap3A_798 = tpu.memref_slice %run_scoped3A_10[%rem3A_260, %swap3A_796, %swap3A_797] : memref<2x32x256xf32, #tpu.memory_space<vmem>> -> memref<1x32x256xf32, #tpu.memory_space<vmem>>
          %swap3A_799 = tpu.memref_squeeze %swap3A_798 : memref<1x32x256xf32, #tpu.memory_space<vmem>> -> memref<32x256xf32, #tpu.memory_space<vmem>>
          %swap3A_800 = arith.index_cast %add3A_462 : i32 to index
          %swap3A_801 = arith.constant 176 : index
          %swap3A_802 = tpu.vector_load %swap3A_799[%swap3A_800, %swap3A_801] {strides = array<i32>} : memref<32x256xf32, #tpu.memory_space<vmem>>, vector<16xf32>,
          tpu.vector_store %swap3A_799[%swap3A_800, %swap3A_801], %add3A_795 {strides = array<i32>} : memref<32x256xf32, #tpu.memory_space<vmem>>, vector<16xf32>,
          %get3A_803 = arith.index_cast %add3A_462 : i32 to index
          %get3A_804 = arith.constant 192 : index
          %get3A_805 = tpu.vector_load %arg6[%get3A_803, %get3A_804] {strides = array<i32>} : memref<32x256xf32, #tpu.memory_space<vmem>>, vector<16xf32>,
          %mul3A_806 = arith.mulf %gather3A_468, %get3A_805 : vector<16xf32>
          %get3A_807 = arith.index_cast %add3A_462 : i32 to index
          %get3A_808 = arith.constant 192 : index
          %get3A_809 = tpu.vector_load %arg7[%get3A_807, %get3A_808] {strides = array<i32>} : memref<32x256xf32, #tpu.memory_space<vmem>>, vector<16xf32>,
          %mul3A_810 = arith.mulf %gather3A_476, %get3A_809 : vector<16xf32>
          %add3A_811 = arith.addf %mul3A_806, %mul3A_810 : vector<16xf32>
          %get3A_812 = arith.index_cast %add3A_462 : i32 to index
          %get3A_813 = arith.constant 192 : index
          %get3A_814 = tpu.vector_load %arg8[%get3A_812, %get3A_813] {strides = array<i32>} : memref<32x256xf32, #tpu.memory_space<vmem>>, vector<16xf32>,
          %mul3A_815 = arith.mulf %gather3A_484, %get3A_814 : vector<16xf32>
          %add3A_816 = arith.addf %add3A_811, %mul3A_815 : vector<16xf32>
          %get3A_817 = arith.index_cast %add3A_462 : i32 to index
          %get3A_818 = arith.constant 192 : index
          %get3A_819 = tpu.vector_load %arg9[%get3A_817, %get3A_818] {strides = array<i32>} : memref<32x256xf32, #tpu.memory_space<vmem>>, vector<16xf32>,
          %mul3A_820 = arith.mulf %gather3A_492, %get3A_819 : vector<16xf32>
          %add3A_821 = arith.addf %add3A_816, %mul3A_820 : vector<16xf32>
          %swap3A_822 = arith.constant 0 : i32
          %swap3A_823 = arith.constant 0 : i32
          %swap3A_824 = tpu.memref_slice %run_scoped3A_10[%rem3A_260, %swap3A_822, %swap3A_823] : memref<2x32x256xf32, #tpu.memory_space<vmem>> -> memref<1x32x256xf32, #tpu.memory_space<vmem>>
          %swap3A_825 = tpu.memref_squeeze %swap3A_824 : memref<1x32x256xf32, #tpu.memory_space<vmem>> -> memref<32x256xf32, #tpu.memory_space<vmem>>
          %swap3A_826 = arith.index_cast %add3A_462 : i32 to index
          %swap3A_827 = arith.constant 192 : index
          %swap3A_828 = tpu.vector_load %swap3A_825[%swap3A_826, %swap3A_827] {strides = array<i32>} : memref<32x256xf32, #tpu.memory_space<vmem>>, vector<16xf32>,
          tpu.vector_store %swap3A_825[%swap3A_826, %swap3A_827], %add3A_821 {strides = array<i32>} : memref<32x256xf32, #tpu.memory_space<vmem>>, vector<16xf32>,
          %get3A_829 = arith.index_cast %add3A_462 : i32 to index
          %get3A_830 = arith.constant 208 : index
          %get3A_831 = tpu.vector_load %arg6[%get3A_829, %get3A_830] {strides = array<i32>} : memref<32x256xf32, #tpu.memory_space<vmem>>, vector<16xf32>,
          %mul3A_832 = arith.mulf %gather3A_468, %get3A_831 : vector<16xf32>
          %get3A_833 = arith.index_cast %add3A_462 : i32 to index
          %get3A_834 = arith.constant 208 : index
          %get3A_835 = tpu.vector_load %arg7[%get3A_833, %get3A_834] {strides = array<i32>} : memref<32x256xf32, #tpu.memory_space<vmem>>, vector<16xf32>,
          %mul3A_836 = arith.mulf %gather3A_476, %get3A_835 : vector<16xf32>
          %add3A_837 = arith.addf %mul3A_832, %mul3A_836 : vector<16xf32>
          %get3A_838 = arith.index_cast %add3A_462 : i32 to index
          %get3A_839 = arith.constant 208 : index
          %get3A_840 = tpu.vector_load %arg8[%get3A_838, %get3A_839] {strides = array<i32>} : memref<32x256xf32, #tpu.memory_space<vmem>>, vector<16xf32>,
          %mul3A_841 = arith.mulf %gather3A_484, %get3A_840 : vector<16xf32>
          %add3A_842 = arith.addf %add3A_837, %mul3A_841 : vector<16xf32>
          %get3A_843 = arith.index_cast %add3A_462 : i32 to index
          %get3A_844 = arith.constant 208 : index
          %get3A_845 = tpu.vector_load %arg9[%get3A_843, %get3A_844] {strides = array<i32>} : memref<32x256xf32, #tpu.memory_space<vmem>>, vector<16xf32>,
          %mul3A_846 = arith.mulf %gather3A_492, %get3A_845 : vector<16xf32>
          %add3A_847 = arith.addf %add3A_842, %mul3A_846 : vector<16xf32>
          %swap3A_848 = arith.constant 0 : i32
          %swap3A_849 = arith.constant 0 : i32
          %swap3A_850 = tpu.memref_slice %run_scoped3A_10[%rem3A_260, %swap3A_848, %swap3A_849] : memref<2x32x256xf32, #tpu.memory_space<vmem>> -> memref<1x32x256xf32, #tpu.memory_space<vmem>>
          %swap3A_851 = tpu.memref_squeeze %swap3A_850 : memref<1x32x256xf32, #tpu.memory_space<vmem>> -> memref<32x256xf32, #tpu.memory_space<vmem>>
          %swap3A_852 = arith.index_cast %add3A_462 : i32 to index
          %swap3A_853 = arith.constant 208 : index
          %swap3A_854 = tpu.vector_load %swap3A_851[%swap3A_852, %swap3A_853] {strides = array<i32>} : memref<32x256xf32, #tpu.memory_space<vmem>>, vector<16xf32>,
          tpu.vector_store %swap3A_851[%swap3A_852, %swap3A_853], %add3A_847 {strides = array<i32>} : memref<32x256xf32, #tpu.memory_space<vmem>>, vector<16xf32>,
          %get3A_855 = arith.index_cast %add3A_462 : i32 to index
          %get3A_856 = arith.constant 224 : index
          %get3A_857 = tpu.vector_load %arg6[%get3A_855, %get3A_856] {strides = array<i32>} : memref<32x256xf32, #tpu.memory_space<vmem>>, vector<16xf32>,
          %mul3A_858 = arith.mulf %gather3A_468, %get3A_857 : vector<16xf32>
          %get3A_859 = arith.index_cast %add3A_462 : i32 to index
          %get3A_860 = arith.constant 224 : index
          %get3A_861 = tpu.vector_load %arg7[%get3A_859, %get3A_860] {strides = array<i32>} : memref<32x256xf32, #tpu.memory_space<vmem>>, vector<16xf32>,
          %mul3A_862 = arith.mulf %gather3A_476, %get3A_861 : vector<16xf32>
          %add3A_863 = arith.addf %mul3A_858, %mul3A_862 : vector<16xf32>
          %get3A_864 = arith.index_cast %add3A_462 : i32 to index
          %get3A_865 = arith.constant 224 : index
          %get3A_866 = tpu.vector_load %arg8[%get3A_864, %get3A_865] {strides = array<i32>} : memref<32x256xf32, #tpu.memory_space<vmem>>, vector<16xf32>,
          %mul3A_867 = arith.mulf %gather3A_484, %get3A_866 : vector<16xf32>
          %add3A_868 = arith.addf %add3A_863, %mul3A_867 : vector<16xf32>
          %get3A_869 = arith.index_cast %add3A_462 : i32 to index
          %get3A_870 = arith.constant 224 : index
          %get3A_871 = tpu.vector_load %arg9[%get3A_869, %get3A_870] {strides = array<i32>} : memref<32x256xf32, #tpu.memory_space<vmem>>, vector<16xf32>,
          %mul3A_872 = arith.mulf %gather3A_492, %get3A_871 : vector<16xf32>
          %add3A_873 = arith.addf %add3A_868, %mul3A_872 : vector<16xf32>
          %swap3A_874 = arith.constant 0 : i32
          %swap3A_875 = arith.constant 0 : i32
          %swap3A_876 = tpu.memref_slice %run_scoped3A_10[%rem3A_260, %swap3A_874, %swap3A_875] : memref<2x32x256xf32, #tpu.memory_space<vmem>> -> memref<1x32x256xf32, #tpu.memory_space<vmem>>
          %swap3A_877 = tpu.memref_squeeze %swap3A_876 : memref<1x32x256xf32, #tpu.memory_space<vmem>> -> memref<32x256xf32, #tpu.memory_space<vmem>>
          %swap3A_878 = arith.index_cast %add3A_462 : i32 to index
          %swap3A_879 = arith.constant 224 : index
          %swap3A_880 = tpu.vector_load %swap3A_877[%swap3A_878, %swap3A_879] {strides = array<i32>} : memref<32x256xf32, #tpu.memory_space<vmem>>, vector<16xf32>,
          tpu.vector_store %swap3A_877[%swap3A_878, %swap3A_879], %add3A_873 {strides = array<i32>} : memref<32x256xf32, #tpu.memory_space<vmem>>, vector<16xf32>,
          %get3A_881 = arith.index_cast %add3A_462 : i32 to index
          %get3A_882 = arith.constant 240 : index
          %get3A_883 = tpu.vector_load %arg6[%get3A_881, %get3A_882] {strides = array<i32>} : memref<32x256xf32, #tpu.memory_space<vmem>>, vector<16xf32>,
          %mul3A_884 = arith.mulf %gather3A_468, %get3A_883 : vector<16xf32>
          %get3A_885 = arith.index_cast %add3A_462 : i32 to index
          %get3A_886 = arith.constant 240 : index
          %get3A_887 = tpu.vector_load %arg7[%get3A_885, %get3A_886] {strides = array<i32>} : memref<32x256xf32, #tpu.memory_space<vmem>>, vector<16xf32>,
          %mul3A_888 = arith.mulf %gather3A_476, %get3A_887 : vector<16xf32>
          %add3A_889 = arith.addf %mul3A_884, %mul3A_888 : vector<16xf32>
          %get3A_890 = arith.index_cast %add3A_462 : i32 to index
          %get3A_891 = arith.constant 240 : index
          %get3A_892 = tpu.vector_load %arg8[%get3A_890, %get3A_891] {strides = array<i32>} : memref<32x256xf32, #tpu.memory_space<vmem>>, vector<16xf32>,
          %mul3A_893 = arith.mulf %gather3A_484, %get3A_892 : vector<16xf32>
          %add3A_894 = arith.addf %add3A_889, %mul3A_893 : vector<16xf32>
          %get3A_895 = arith.index_cast %add3A_462 : i32 to index
          %get3A_896 = arith.constant 240 : index
          %get3A_897 = tpu.vector_load %arg9[%get3A_895, %get3A_896] {strides = array<i32>} : memref<32x256xf32, #tpu.memory_space<vmem>>, vector<16xf32>,
          %mul3A_898 = arith.mulf %gather3A_492, %get3A_897 : vector<16xf32>
          %add3A_899 = arith.addf %add3A_894, %mul3A_898 : vector<16xf32>
          %swap3A_900 = arith.constant 0 : i32
          %swap3A_901 = arith.constant 0 : i32
          %swap3A_902 = tpu.memref_slice %run_scoped3A_10[%rem3A_260, %swap3A_900, %swap3A_901] : memref<2x32x256xf32, #tpu.memory_space<vmem>> -> memref<1x32x256xf32, #tpu.memory_space<vmem>>
          %swap3A_903 = tpu.memref_squeeze %swap3A_902 : memref<1x32x256xf32, #tpu.memory_space<vmem>> -> memref<32x256xf32, #tpu.memory_space<vmem>>
          %swap3A_904 = arith.index_cast %add3A_462 : i32 to index
          %swap3A_905 = arith.constant 240 : index
          %swap3A_906 = tpu.vector_load %swap3A_903[%swap3A_904, %swap3A_905] {strides = array<i32>} : memref<32x256xf32, #tpu.memory_space<vmem>>, vector<16xf32>,
          tpu.vector_store %swap3A_903[%swap3A_904, %swap3A_905], %add3A_899 {strides = array<i32>} : memref<32x256xf32, #tpu.memory_space<vmem>>, vector<16xf32>,
        }
        %scan3A_353 = arith.constant 32 : i32
        "tpu.trace_stop"() : () -> ()
        %ne3A_354 = arith.cmpi ne, %add3A_161, %add3A_179 : i32
        %or3A_355 = arith.constant false
        %or3A_356 = arith.ori %or3A_355, %ne3A_354 : i1
        %or3A_357 = arith.constant false
        %or3A_358 = arith.ori %or3A_356, %or3A_357 : i1
        %or3A_359 = arith.ori %or3A_358, %eq3A_160 : i1
        %convert_element_type3A_360 = arith.extui %or3A_359 : i1 to i32
        %cond3A_361 = arith.constant 0 : i32
        %cond3A_362 = arith.cmpi ne, %convert_element_type3A_360, %cond3A_361 : i32
        scf.if %cond3A_362 {
        } else {
        }
        %and3A_363 = arith.constant false
        %and3A_364 = arith.andi %or3A_359, %and3A_363 : i1
        %ne3A_365 = arith.cmpi ne, %add3A_161, %add3A_179 : i32
        %or3A_366 = arith.constant false
        %or3A_367 = arith.ori %or3A_366, %ne3A_365 : i1
        %or3A_368 = arith.constant false
        %or3A_369 = arith.ori %or3A_367, %or3A_368 : i1
        %or3A_370 = arith.ori %or3A_369, %eq3A_160 : i1
        %convert_element_type3A_371 = arith.extui %or3A_370 : i1 to i32
        %cond3A_372 = arith.constant 0 : i32
        %cond3A_373 = arith.cmpi ne, %convert_element_type3A_371, %cond3A_372 : i32
        scf.if %cond3A_373 {
        } else {
        }
        %and3A_374 = arith.constant false
        %and3A_375 = arith.andi %or3A_370, %and3A_374 : i1
        %ne3A_376 = arith.cmpi ne, %add3A_161, %add3A_179 : i32
        %or3A_377 = arith.constant false
        %or3A_378 = arith.ori %or3A_377, %ne3A_376 : i1
        %or3A_379 = arith.constant false
        %or3A_380 = arith.ori %or3A_378, %or3A_379 : i1
        %or3A_381 = arith.ori %or3A_380, %eq3A_160 : i1
        %convert_element_type3A_382 = arith.extui %or3A_381 : i1 to i32
        %cond3A_383 = arith.constant 0 : i32
        %cond3A_384 = arith.cmpi ne, %convert_element_type3A_382, %cond3A_383 : i32
        scf.if %cond3A_384 {
          "tpu.trace_start"() <{level = 10 : i32, message = "ep_copy_out"}> : () -> ()
          %rem3A_458 = arith.constant 2 : i32
          %rem3A_459 = arith.remui %scan3A_154, %rem3A_458 : i32
          %mul3A_460 = arith.constant 32 : i32
          %mul3A_461 = arith.muli %mul3A_460, %add3A_161 : i32
          %dma_start3A_462 = arith.constant 0 : i32
          %dma_start3A_463 = arith.constant 0 : i32
          %dma_start3A_464 = tpu.memref_slice %run_scoped3A_10[%rem3A_459, %dma_start3A_462, %dma_start3A_463] : memref<2x32x256xf32, #tpu.memory_space<vmem>> -> memref<1x32x256xf32, #tpu.memory_space<vmem>>
          %dma_start3A_465 = tpu.memref_squeeze %dma_start3A_464 : memref<1x32x256xf32, #tpu.memory_space<vmem>> -> memref<32x256xf32, #tpu.memory_space<vmem>>
          %dma_start3A_466 = arith.constant 0 : i32
          %dma_start3A_467 = tpu.memref_slice %arg5[%mul3A_461, %dma_start3A_466] : memref<50176x256xf32, #tpu.memory_space<hbm>> -> memref<32x256xf32, #tpu.memory_space<hbm>>
          %dma_start3A_468 = tpu.memref_slice %run_scoped3A_11[%rem3A_459] : memref<2x!tpu.dma_semaphore, #tpu.memory_space<semaphore_mem>> -> memref<1x!tpu.dma_semaphore, #tpu.memory_space<semaphore_mem>>
          %dma_start3A_469 = tpu.memref_squeeze %dma_start3A_468 : memref<1x!tpu.dma_semaphore, #tpu.memory_space<semaphore_mem>> -> memref<!tpu.dma_semaphore, #tpu.memory_space<semaphore_mem>>
          %dma_start3A_470 = arith.constant 0 : i32
          %dma_start3A_471 = tpu.memref_slice %arg5[%mul3A_461, %dma_start3A_470] : memref<50176x256xf32, #tpu.memory_space<hbm>> -> memref<32x256xf32, #tpu.memory_space<hbm>>
          %dma_start3A_472 = arith.constant 0 : i32
          %dma_start3A_473 = arith.constant 0 : i32
          %dma_start3A_474 = tpu.memref_slice %run_scoped3A_10[%rem3A_459, %dma_start3A_472, %dma_start3A_473] : memref<2x32x256xf32, #tpu.memory_space<vmem>> -> memref<1x32x256xf32, #tpu.memory_space<vmem>>
          %dma_start3A_475 = tpu.memref_squeeze %dma_start3A_474 : memref<1x32x256xf32, #tpu.memory_space<vmem>> -> memref<32x256xf32, #tpu.memory_space<vmem>>
          tpu.enqueue_dma source(%dma_start3A_475 : memref<32x256xf32, #tpu.memory_space<vmem>>) target(%dma_start3A_471 : memref<32x256xf32, #tpu.memory_space<hbm>>) target_semaphore(%dma_start3A_469 : memref<!tpu.dma_semaphore, #tpu.memory_space<semaphore_mem>>)
          "tpu.trace_stop"() : () -> ()
        } else {
        }
        %and3A_385 = arith.constant true
        %and3A_386 = arith.andi %or3A_381, %and3A_385 : i1
        %add3A_387 = arith.constant 1 : i32
        %add3A_388 = arith.addi %scan3A_154, %add3A_387 : i32
        %select_n3A_389 = arith.select %and3A_386, %add3A_388, %scan3A_154 : i32
        %ne3A_390 = arith.cmpi ne, %add3A_161, %add3A_170 : i32
        %or3A_391 = arith.constant false
        %or3A_392 = arith.ori %or3A_391, %ne3A_390 : i1
        %or3A_393 = arith.constant false
        %or3A_394 = arith.ori %or3A_392, %or3A_393 : i1
        %not3A_395 = arith.constant true
        %not3A_396 = arith.xori %eq3A_158, %not3A_395 : i1
        %and3A_397 = arith.andi %or3A_394, %not3A_396 : i1
        %convert_element_type3A_398 = arith.extui %and3A_397 : i1 to i32
        %cond3A_399 = arith.constant 0 : i32
        %cond3A_400 = arith.cmpi ne, %convert_element_type3A_398, %cond3A_399 : i32
        scf.if %cond3A_400 {
        } else {
        }
        %and3A_401 = arith.constant false
        %and3A_402 = arith.andi %and3A_397, %and3A_401 : i1
        %ne3A_403 = arith.cmpi ne, %add3A_161, %add3A_170 : i32
        %or3A_404 = arith.constant false
        %or3A_405 = arith.ori %or3A_404, %ne3A_403 : i1
        %or3A_406 = arith.constant false
        %or3A_407 = arith.ori %or3A_405, %or3A_406 : i1
        %not3A_408 = arith.constant true
        %not3A_409 = arith.xori %eq3A_158, %not3A_408 : i1
        %and3A_410 = arith.andi %or3A_407, %not3A_409 : i1
        %convert_element_type3A_411 = arith.extui %and3A_410 : i1 to i32
        %cond3A_412 = arith.constant 0 : i32
        %cond3A_413 = arith.cmpi ne, %convert_element_type3A_411, %cond3A_412 : i32
        scf.if %cond3A_413 {
        } else {
        }
        %and3A_414 = arith.constant false
        %and3A_415 = arith.andi %and3A_410, %and3A_414 : i1
        %ne3A_416 = arith.cmpi ne, %add3A_161, %add3A_170 : i32
        %or3A_417 = arith.constant false
        %or3A_418 = arith.ori %or3A_417, %ne3A_416 : i1
        %or3A_419 = arith.constant false
        %or3A_420 = arith.ori %or3A_418, %or3A_419 : i1
        %not3A_421 = arith.constant true
        %not3A_422 = arith.xori %eq3A_158, %not3A_421 : i1
        %and3A_423 = arith.andi %or3A_420, %not3A_422 : i1
        %convert_element_type3A_424 = arith.extui %and3A_423 : i1 to i32
        %cond3A_425 = arith.constant 0 : i32
        %cond3A_426 = arith.cmpi ne, %convert_element_type3A_424, %cond3A_425 : i32
        scf.if %cond3A_426 {
          "tpu.trace_start"() <{level = 10 : i32, message = "ep_wait_out"}> : () -> ()
          %rem3A_458 = arith.constant 2 : i32
          %rem3A_459 = arith.remui %scan3A_155, %rem3A_458 : i32
          %mul3A_460 = arith.constant 32 : i32
          %mul3A_461 = arith.muli %mul3A_460, %add3A_170 : i32
          %dma_wait3A_462 = arith.constant 0 : i32
          %dma_wait3A_463 = arith.constant 0 : i32
          %dma_wait3A_464 = tpu.memref_slice %run_scoped3A_10[%rem3A_459, %dma_wait3A_462, %dma_wait3A_463] : memref<2x32x256xf32, #tpu.memory_space<vmem>> -> memref<1x32x256xf32, #tpu.memory_space<vmem>>
          %dma_wait3A_465 = tpu.memref_squeeze %dma_wait3A_464 : memref<1x32x256xf32, #tpu.memory_space<vmem>> -> memref<32x256xf32, #tpu.memory_space<vmem>>
          %dma_wait3A_466 = arith.constant 0 : i32
          %dma_wait3A_467 = tpu.memref_slice %arg5[%mul3A_461, %dma_wait3A_466] : memref<50176x256xf32, #tpu.memory_space<hbm>> -> memref<32x256xf32, #tpu.memory_space<hbm>>
          %dma_wait3A_468 = tpu.memref_slice %run_scoped3A_11[%rem3A_459] : memref<2x!tpu.dma_semaphore, #tpu.memory_space<semaphore_mem>> -> memref<1x!tpu.dma_semaphore, #tpu.memory_space<semaphore_mem>>
          %dma_wait3A_469 = tpu.memref_squeeze %dma_wait3A_468 : memref<1x!tpu.dma_semaphore, #tpu.memory_space<semaphore_mem>> -> memref<!tpu.dma_semaphore, #tpu.memory_space<semaphore_mem>>
          %dma_wait3A_470 = arith.constant 0 : i32
          %dma_wait3A_471 = tpu.memref_slice %arg5[%mul3A_461, %dma_wait3A_470] : memref<50176x256xf32, #tpu.memory_space<hbm>> -> memref<32x256xf32, #tpu.memory_space<hbm>>
          %dma_wait3A_472 = arith.constant 0 : i32
          %dma_wait3A_473 = arith.constant 0 : i32
          %dma_wait3A_474 = tpu.memref_slice %run_scoped3A_10[%rem3A_459, %dma_wait3A_472, %dma_wait3A_473] : memref<2x32x256xf32, #tpu.memory_space<vmem>> -> memref<1x32x256xf32, #tpu.memory_space<vmem>>
          %dma_wait3A_475 = tpu.memref_squeeze %dma_wait3A_474 : memref<1x32x256xf32, #tpu.memory_space<vmem>> -> memref<32x256xf32, #tpu.memory_space<vmem>>
          tpu.wait_dma2 semaphore(%dma_wait3A_469 : memref<!tpu.dma_semaphore, #tpu.memory_space<semaphore_mem>>) src(%dma_wait3A_475 : memref<32x256xf32, #tpu.memory_space<vmem>>) dst(%dma_wait3A_471 : memref<32x256xf32, #tpu.memory_space<hbm>>)
          "tpu.trace_stop"() : () -> ()
        } else {
        }
        %and3A_427 = arith.constant true
        %and3A_428 = arith.andi %and3A_423, %and3A_427 : i1
        %add3A_429 = arith.constant 1 : i32
        %add3A_430 = arith.addi %scan3A_155, %add3A_429 : i32
        %select_n3A_431 = arith.select %and3A_428, %add3A_430, %scan3A_155 : i32
        %ne3A_432 = arith.cmpi ne, %add3A_161, %add3A_179 : i32
        %or3A_433 = arith.constant false
        %or3A_434 = arith.ori %or3A_433, %ne3A_432 : i1
        %or3A_435 = arith.constant false
        %or3A_436 = arith.ori %or3A_434, %or3A_435 : i1
        %or3A_437 = arith.ori %or3A_436, %eq3A_160 : i1
        %add3A_438 = arith.constant 1 : i32
        %add3A_439 = arith.addi %scan3A_151, %add3A_438 : i32
        %select_n3A_440 = arith.select %or3A_437, %add3A_439, %scan3A_151 : i32
        %ne3A_441 = arith.cmpi ne, %add3A_161, %add3A_179 : i32
        %or3A_442 = arith.constant false
        %or3A_443 = arith.ori %or3A_442, %ne3A_441 : i1
        %or3A_444 = arith.constant false
        %or3A_445 = arith.ori %or3A_443, %or3A_444 : i1
        %or3A_446 = arith.ori %or3A_445, %eq3A_160 : i1
        %add3A_447 = arith.constant 1 : i32
        %add3A_448 = arith.addi %scan3A_153, %add3A_447 : i32
        %select_n3A_449 = arith.select %or3A_446, %add3A_448, %scan3A_153 : i32
        %add3A_450 = arith.constant 1 : i32
        %add3A_451 = arith.addi %scan3A_156, %add3A_450 : i32
        %select_n3A_452 = arith.constant true
        %select_n3A_453 = arith.select %select_n3A_452, %add3A_451, %scan3A_156 : i32
        %eq3A_454 = arith.constant 49 : i32
        %eq3A_455 = arith.cmpi eq, %select_n3A_453, %eq3A_454 : i32
        %select_n3A_456 = arith.constant 0 : i32
        %select_n3A_457 = arith.select %eq3A_455, %select_n3A_456, %select_n3A_453 : i32
        scf.yield %select_n3A_199, %select_n3A_440, %select_n3A_217, %select_n3A_449, %select_n3A_389, %select_n3A_431, %select_n3A_457 : i32, i32, i32, i32, i32, i32, i32
      }
      %scan3A_96 = arith.constant 49 : i32
      %sub3A = arith.constant 1 : i32
      %sub3A_97 = arith.subi %scan3A_95#6, %sub3A : i32
      %select_n3A_98 = arith.constant true
      %select_n3A_99 = arith.select %select_n3A_98, %sub3A_97, %scan3A_95#6 : i32
      %eq3A_100 = arith.constant -1 : i32
      %eq3A_101 = arith.cmpi eq, %select_n3A_99, %eq3A_100 : i32
      %select_n3A_102 = arith.constant 48 : i32
      %select_n3A_103 = arith.select %eq3A_101, %select_n3A_102, %select_n3A_99 : i32
      %add3A_104 = arith.addi %select_n3A_103, %mul3A_6 : i32
      %sub3A_105 = arith.constant 1 : i32
      %sub3A_106 = arith.subi %select_n3A_103, %sub3A_105 : i32
      %select_n3A_107 = arith.constant true
      %select_n3A_108 = arith.select %select_n3A_107, %sub3A_106, %select_n3A_103 : i32
      %eq3A_109 = arith.constant -1 : i32
      %eq3A_110 = arith.cmpi eq, %select_n3A_108, %eq3A_109 : i32
      %select_n3A_111 = arith.constant 48 : i32
      %select_n3A_112 = arith.select %eq3A_110, %select_n3A_111, %select_n3A_108 : i32
      %add3A_113 = arith.addi %select_n3A_112, %mul3A_6 : i32
      %add3A_114 = arith.constant 1 : i32
      %add3A_115 = arith.addi %select_n3A_103, %add3A_114 : i32
      %select_n3A_116 = arith.constant true
      %select_n3A_117 = arith.select %select_n3A_116, %add3A_115, %select_n3A_103 : i32
      %eq3A_118 = arith.constant 49 : i32
      %eq3A_119 = arith.cmpi eq, %select_n3A_117, %eq3A_118 : i32
      %select_n3A_120 = arith.constant 0 : i32
      %select_n3A_121 = arith.select %eq3A_119, %select_n3A_120, %select_n3A_117 : i32
      %add3A_122 = arith.addi %select_n3A_121, %mul3A_6 : i32
      %add3A_123 = arith.constant 1 : i32
      %add3A_124 = arith.addi %select_n3A_121, %add3A_123 : i32
      %select_n3A_125 = arith.constant true
      %select_n3A_126 = arith.select %select_n3A_125, %add3A_124, %select_n3A_121 : i32
      %eq3A_127 = arith.constant 49 : i32
      %eq3A_128 = arith.cmpi eq, %select_n3A_126, %eq3A_127 : i32
      %select_n3A_129 = arith.constant 0 : i32
      %select_n3A_130 = arith.select %eq3A_128, %select_n3A_129, %select_n3A_126 : i32
      %add3A_131 = arith.addi %select_n3A_130, %mul3A_6 : i32
      "tpu.trace_start"() <{level = 10 : i32, message = "ep_finalize"}> : () -> ()
      %rem3A_132 = arith.constant 2 : i32
      %rem3A_133 = arith.remui %scan3A_95#5, %rem3A_132 : i32
      %mul3A_134 = arith.constant 32 : i32
      %mul3A_135 = arith.muli %mul3A_134, %add3A_104 : i32
      %dma_wait3A = arith.constant 0 : i32
      %dma_wait3A_136 = arith.constant 0 : i32
      %dma_wait3A_137 = tpu.memref_slice %run_scoped3A_10[%rem3A_133, %dma_wait3A, %dma_wait3A_136] : memref<2x32x256xf32, #tpu.memory_space<vmem>> -> memref<1x32x256xf32, #tpu.memory_space<vmem>>
      %dma_wait3A_138 = tpu.memref_squeeze %dma_wait3A_137 : memref<1x32x256xf32, #tpu.memory_space<vmem>> -> memref<32x256xf32, #tpu.memory_space<vmem>>
      %dma_wait3A_139 = arith.constant 0 : i32
      %dma_wait3A_140 = tpu.memref_slice %arg5[%mul3A_135, %dma_wait3A_139] : memref<50176x256xf32, #tpu.memory_space<hbm>> -> memref<32x256xf32, #tpu.memory_space<hbm>>
      %dma_wait3A_141 = tpu.memref_slice %run_scoped3A_11[%rem3A_133] : memref<2x!tpu.dma_semaphore, #tpu.memory_space<semaphore_mem>> -> memref<1x!tpu.dma_semaphore, #tpu.memory_space<semaphore_mem>>
      %dma_wait3A_142 = tpu.memref_squeeze %dma_wait3A_141 : memref<1x!tpu.dma_semaphore, #tpu.memory_space<semaphore_mem>> -> memref<!tpu.dma_semaphore, #tpu.memory_space<semaphore_mem>>
      %dma_wait3A_143 = arith.constant 0 : i32
      %dma_wait3A_144 = tpu.memref_slice %arg5[%mul3A_135, %dma_wait3A_143] : memref<50176x256xf32, #tpu.memory_space<hbm>> -> memref<32x256xf32, #tpu.memory_space<hbm>>
      %dma_wait3A_145 = arith.constant 0 : i32
      %dma_wait3A_146 = arith.constant 0 : i32
      %dma_wait3A_147 = tpu.memref_slice %run_scoped3A_10[%rem3A_133, %dma_wait3A_145, %dma_wait3A_146] : memref<2x32x256xf32, #tpu.memory_space<vmem>> -> memref<1x32x256xf32, #tpu.memory_space<vmem>>
      %dma_wait3A_148 = tpu.memref_squeeze %dma_wait3A_147 : memref<1x32x256xf32, #tpu.memory_space<vmem>> -> memref<32x256xf32, #tpu.memory_space<vmem>>
      tpu.wait_dma2 semaphore(%dma_wait3A_142 : memref<!tpu.dma_semaphore, #tpu.memory_space<semaphore_mem>>) src(%dma_wait3A_148 : memref<32x256xf32, #tpu.memory_space<vmem>>) dst(%dma_wait3A_144 : memref<32x256xf32, #tpu.memory_space<hbm>>)
      "tpu.trace_stop"() : () -> ()
      tpu.yield
    }) : () -> ()
    return
  }
}

module attributes {stable_mosaic.version = 14 : i64} {
  func.func @_prep_body(%arg0: memref<6x1024xf32, #tpu.memory_space<vmem>>, %arg1: memref<4x49x1024xi32, #tpu.memory_space<vmem>>, %arg2: memref<4x49x1024xf32, #tpu.memory_space<vmem>>) attributes {dimension_semantics = [], scalar_prefetch = 0 : i64, scratch_operands = 0 : i64, tpu.core_type = #tpu.core_type<tc>} {
    %get3A = arith.constant 0 : index
    %get3A_0 = arith.constant 0 : index
    %get3A_1 = vector.load %arg0[%get3A, %get3A_0] : memref<6x1024xf32, #tpu.memory_space<vmem>>, vector<6x1024xf32>
    %slice3A = vector.extract_strided_slice %get3A_1 {offsets = [0, 0], sizes = [1, 1024], strides = [1, 1]} : vector<6x1024xf32> to vector<1x1024xf32>
    %convert_element_type3A = arith.fptosi %slice3A : vector<1x1024xf32> to vector<1x1024xi32>
    %slice3A_2 = vector.extract_strided_slice %get3A_1 {offsets = [1, 0], sizes = [1, 1024], strides = [1, 1]} : vector<6x1024xf32> to vector<1x1024xf32>
    %slice3A_3 = vector.extract_strided_slice %get3A_1 {offsets = [2, 0], sizes = [1, 1024], strides = [1, 1]} : vector<6x1024xf32> to vector<1x1024xf32>
    %slice3A_4 = vector.extract_strided_slice %get3A_1 {offsets = [3, 0], sizes = [1, 1024], strides = [1, 1]} : vector<6x1024xf32> to vector<1x1024xf32>
    %slice3A_5 = vector.extract_strided_slice %get3A_1 {offsets = [4, 0], sizes = [1, 1024], strides = [1, 1]} : vector<6x1024xf32> to vector<1x1024xf32>
    %slice3A_6 = vector.extract_strided_slice %get3A_1 {offsets = [5, 0], sizes = [1, 1024], strides = [1, 1]} : vector<6x1024xf32> to vector<1x1024xf32>
    %mul3A = arith.constant 0.0174532924 : f32
    %mul3A_7 = vector.broadcast %mul3A : f32 to vector<1x1024xf32>
    %mul3A_8 = arith.mulf %slice3A_6, %mul3A_7 : vector<1x1024xf32>
    %mul3A_9 = arith.constant 0.0178571437 : f32
    %mul3A_10 = vector.broadcast %mul3A_9 : f32 to vector<1x1024xf32>
    %mul3A_11 = arith.mulf %slice3A_5, %mul3A_10 : vector<1x1024xf32>
    %mul3A_12 = arith.constant 0.0178571437 : f32
    %mul3A_13 = vector.broadcast %mul3A_12 : f32 to vector<1x1024xf32>
    %mul3A_14 = arith.mulf %slice3A_4, %mul3A_13 : vector<1x1024xf32>
    %cos3A = math.cos %mul3A_8 : vector<1x1024xf32>
    %sin3A = math.sin %mul3A_8 : vector<1x1024xf32>
    %mul3A_15 = arith.mulf %cos3A, %mul3A_11 : vector<1x1024xf32>
    %mul3A_16 = arith.mulf %sin3A, %mul3A_14 : vector<1x1024xf32>
    %mul3A_17 = arith.mulf %cos3A, %mul3A_11 : vector<1x1024xf32>
    %mul3A_18 = arith.constant -3.500000e+00 : f32
    %mul3A_19 = vector.broadcast %mul3A_18 : f32 to vector<1x1024xf32>
    %mul3A_20 = arith.mulf %mul3A_17, %mul3A_19 : vector<1x1024xf32>
    %mul3A_21 = arith.mulf %sin3A, %mul3A_14 : vector<1x1024xf32>
    %mul3A_22 = arith.constant -3.500000e+00 : f32
    %mul3A_23 = vector.broadcast %mul3A_22 : f32 to vector<1x1024xf32>
    %mul3A_24 = arith.mulf %mul3A_21, %mul3A_23 : vector<1x1024xf32>
    %add3A = arith.addf %mul3A_20, %mul3A_24 : vector<1x1024xf32>
    %mul3A_25 = arith.constant 1.250000e-01 : f32
    %mul3A_26 = vector.broadcast %mul3A_25 : f32 to vector<1x1024xf32>
    %mul3A_27 = arith.mulf %slice3A_2, %mul3A_26 : vector<1x1024xf32>
    %add3A_28 = arith.addf %add3A, %mul3A_27 : vector<1x1024xf32>
    %neg3A = arith.constant 0.000000e+00 : f32
    %neg3A_29 = vector.broadcast %neg3A : f32 to vector<1x1024xf32>
    %neg3A_30 = arith.subf %neg3A_29, %sin3A : vector<1x1024xf32>
    %mul3A_31 = arith.mulf %neg3A_30, %mul3A_11 : vector<1x1024xf32>
    %mul3A_32 = arith.mulf %cos3A, %mul3A_14 : vector<1x1024xf32>
    %neg3A_33 = arith.constant 0.000000e+00 : f32
    %neg3A_34 = vector.broadcast %neg3A_33 : f32 to vector<1x1024xf32>
    %neg3A_35 = arith.subf %neg3A_34, %sin3A : vector<1x1024xf32>
    %mul3A_36 = arith.mulf %neg3A_35, %mul3A_11 : vector<1x1024xf32>
    %mul3A_37 = arith.constant -3.500000e+00 : f32
    %mul3A_38 = vector.broadcast %mul3A_37 : f32 to vector<1x1024xf32>
    %mul3A_39 = arith.mulf %mul3A_36, %mul3A_38 : vector<1x1024xf32>
    %mul3A_40 = arith.mulf %cos3A, %mul3A_14 : vector<1x1024xf32>
    %mul3A_41 = arith.constant -3.500000e+00 : f32
    %mul3A_42 = vector.broadcast %mul3A_41 : f32 to vector<1x1024xf32>
    %mul3A_43 = arith.mulf %mul3A_40, %mul3A_42 : vector<1x1024xf32>
    %add3A_44 = arith.addf %mul3A_39, %mul3A_43 : vector<1x1024xf32>
    %mul3A_45 = arith.constant 1.250000e-01 : f32
    %mul3A_46 = vector.broadcast %mul3A_45 : f32 to vector<1x1024xf32>
    %mul3A_47 = arith.mulf %slice3A_3, %mul3A_46 : vector<1x1024xf32>
    %add3A_48 = arith.addf %add3A_44, %mul3A_47 : vector<1x1024xf32>
    %iota3A = tpu.iota {dimensions = array<i32: 0>} : vector<49x1024xi32>
    %iota3A_49 = tpu.iota {dimensions = array<i32: 1>} : vector<49x1024xi32>
    %jit3A = arith.constant 7 : i32
    %eq3A = arith.constant 0 : i32
    %eq3A_50 = arith.cmpi eq, %jit3A, %eq3A : i32
    %jit3A_51 = arith.constant 1 : i32
    %select_n3A = arith.select %eq3A_50, %jit3A_51, %jit3A : i32
    %rem3A = vector.broadcast %select_n3A : i32 to vector<49x1024xi32>
    %rem3A_52 = arith.remsi %iota3A, %rem3A : vector<49x1024xi32>
    %ne3A = arith.constant 0 : i32
    %ne3A_53 = vector.broadcast %ne3A : i32 to vector<49x1024xi32>
    %ne3A_54 = arith.cmpi ne, %rem3A_52, %ne3A_53 : vector<49x1024xi32>
    %lt3A = arith.constant 0 : i32
    %lt3A_55 = vector.broadcast %lt3A : i32 to vector<49x1024xi32>
    %lt3A_56 = arith.cmpi slt, %rem3A_52, %lt3A_55 : vector<49x1024xi32>
    %lt3A_57 = arith.constant 0 : i32
    %lt3A_58 = arith.cmpi slt, %select_n3A, %lt3A_57 : i32
    %ne3A_59 = vector.broadcast %lt3A_58 : i1 to vector<49x1024xi1>
    %ne3A_60 = vector.broadcast %ne3A_59 : vector<49x1024xi1> to vector<49x1024xi1>
    %ne3A_61 = arith.xori %lt3A_56, %ne3A_60 : vector<49x1024xi1>
    %and3A = arith.andi %ne3A_61, %ne3A_54 : vector<49x1024xi1>
    %add3A_62 = vector.broadcast %select_n3A : i32 to vector<49x1024xi32>
    %add3A_63 = arith.addi %rem3A_52, %add3A_62 : vector<49x1024xi32>
    %select_n3A_64 = arith.select %and3A, %add3A_63, %rem3A_52 : vector<49x1024xi1>, vector<49x1024xi32>
    %convert_element_type3A_65 = arith.sitofp %select_n3A_64 : vector<49x1024xi32> to vector<49x1024xf32>
    %add3A_66 = arith.constant 5.000000e-01 : f32
    %add3A_67 = vector.broadcast %add3A_66 : f32 to vector<49x1024xf32>
    %add3A_68 = arith.addf %convert_element_type3A_65, %add3A_67 : vector<49x1024xf32>
    %jit3A_69 = arith.constant 7 : i32
    %div3A = vector.broadcast %jit3A_69 : i32 to vector<49x1024xi32>
    %div3A_70 = arith.divsi %iota3A, %div3A : vector<49x1024xi32>
    %sign3A = arith.constant 0 : i32
    %sign3A_71 = vector.broadcast %sign3A : i32 to vector<49x1024xi32>
    %sign3A_72 = arith.cmpi sgt, %iota3A, %sign3A_71 : vector<49x1024xi32>
    %sign3A_73 = arith.extui %sign3A_72 : vector<49x1024xi1> to vector<49x1024xi32>
    %sign3A_74 = arith.constant 0 : i32
    %sign3A_75 = vector.broadcast %sign3A_74 : i32 to vector<49x1024xi32>
    %sign3A_76 = arith.cmpi slt, %iota3A, %sign3A_75 : vector<49x1024xi32>
    %sign3A_77 = arith.extui %sign3A_76 : vector<49x1024xi1> to vector<49x1024xi32>
    %sign3A_78 = arith.subi %sign3A_73, %sign3A_77 : vector<49x1024xi32>
    %sign3A_79 = arith.constant 0 : i32
    %sign3A_80 = arith.cmpi sgt, %jit3A_69, %sign3A_79 : i32
    %sign3A_81 = arith.extui %sign3A_80 : i1 to i32
    %sign3A_82 = arith.constant 0 : i32
    %sign3A_83 = arith.cmpi slt, %jit3A_69, %sign3A_82 : i32
    %sign3A_84 = arith.extui %sign3A_83 : i1 to i32
    %sign3A_85 = arith.subi %sign3A_81, %sign3A_84 : i32
    %ne3A_86 = vector.broadcast %sign3A_85 : i32 to vector<49x1024xi32>
    %ne3A_87 = arith.cmpi ne, %sign3A_78, %ne3A_86 : vector<49x1024xi32>
    %rem3A_88 = vector.broadcast %jit3A_69 : i32 to vector<49x1024xi32>
    %rem3A_89 = arith.remsi %iota3A, %rem3A_88 : vector<49x1024xi32>
    %ne3A_90 = arith.constant 0 : i32
    %ne3A_91 = vector.broadcast %ne3A_90 : i32 to vector<49x1024xi32>
    %ne3A_92 = arith.cmpi ne, %rem3A_89, %ne3A_91 : vector<49x1024xi32>
    %and3A_93 = arith.andi %ne3A_87, %ne3A_92 : vector<49x1024xi1>
    %sub3A = arith.constant 1 : i32
    %sub3A_94 = vector.broadcast %sub3A : i32 to vector<49x1024xi32>
    %sub3A_95 = arith.subi %div3A_70, %sub3A_94 : vector<49x1024xi32>
    %select_n3A_96 = arith.select %and3A_93, %sub3A_95, %div3A_70 : vector<49x1024xi1>, vector<49x1024xi32>
    %convert_element_type3A_97 = arith.sitofp %select_n3A_96 : vector<49x1024xi32> to vector<49x1024xf32>
    %add3A_98 = arith.constant 5.000000e-01 : f32
    %add3A_99 = vector.broadcast %add3A_98 : f32 to vector<49x1024xf32>
    %add3A_100 = arith.addf %convert_element_type3A_97, %add3A_99 : vector<49x1024xf32>
    %mul3A_101 = vector.broadcast %mul3A_15 : vector<1x1024xf32> to vector<49x1024xf32>
    %mul3A_102 = arith.mulf %mul3A_101, %add3A_68 : vector<49x1024xf32>
    %mul3A_103 = vector.broadcast %mul3A_16 : vector<1x1024xf32> to vector<49x1024xf32>
    %mul3A_104 = arith.mulf %mul3A_103, %add3A_100 : vector<49x1024xf32>
    %add3A_105 = arith.addf %mul3A_102, %mul3A_104 : vector<49x1024xf32>
    %add3A_106 = vector.broadcast %add3A_28 : vector<1x1024xf32> to vector<49x1024xf32>
    %add3A_107 = arith.addf %add3A_105, %add3A_106 : vector<49x1024xf32>
    %mul3A_108 = vector.broadcast %mul3A_31 : vector<1x1024xf32> to vector<49x1024xf32>
    %mul3A_109 = arith.mulf %mul3A_108, %add3A_68 : vector<49x1024xf32>
    %mul3A_110 = vector.broadcast %mul3A_32 : vector<1x1024xf32> to vector<49x1024xf32>
    %mul3A_111 = arith.mulf %mul3A_110, %add3A_100 : vector<49x1024xf32>
    %add3A_112 = arith.addf %mul3A_109, %mul3A_111 : vector<49x1024xf32>
    %add3A_113 = vector.broadcast %add3A_48 : vector<1x1024xf32> to vector<49x1024xf32>
    %add3A_114 = arith.addf %add3A_112, %add3A_113 : vector<49x1024xf32>
    %ge3A = arith.constant 0.000000e+00 : f32
    %ge3A_115 = vector.broadcast %ge3A : f32 to vector<49x1024xf32>
    %ge3A_116 = arith.cmpf oge, %add3A_107, %ge3A_115 : vector<49x1024xf32>
    %le3A = arith.constant 1.270000e+02 : f32
    %le3A_117 = vector.broadcast %le3A : f32 to vector<49x1024xf32>
    %le3A_118 = arith.cmpf ole, %add3A_107, %le3A_117 : vector<49x1024xf32>
    %and3A_119 = arith.andi %ge3A_116, %le3A_118 : vector<49x1024xi1>
    %ge3A_120 = arith.constant 0.000000e+00 : f32
    %ge3A_121 = vector.broadcast %ge3A_120 : f32 to vector<49x1024xf32>
    %ge3A_122 = arith.cmpf oge, %add3A_114, %ge3A_121 : vector<49x1024xf32>
    %and3A_123 = arith.andi %and3A_119, %ge3A_122 : vector<49x1024xi1>
    %le3A_124 = arith.constant 1.270000e+02 : f32
    %le3A_125 = vector.broadcast %le3A_124 : f32 to vector<49x1024xf32>
    %le3A_126 = arith.cmpf ole, %add3A_114, %le3A_125 : vector<49x1024xf32>
    %and3A_127 = arith.andi %and3A_123, %le3A_126 : vector<49x1024xi1>
    %lt3A_128 = arith.constant 1000 : i32
    %lt3A_129 = vector.broadcast %lt3A_128 : i32 to vector<49x1024xi32>
    %lt3A_130 = arith.cmpi slt, %iota3A_49, %lt3A_129 : vector<49x1024xi32>
    %and3A_131 = arith.andi %and3A_127, %lt3A_130 : vector<49x1024xi1>
    %convert_element_type3A_132 = arith.extui %and3A_131 : vector<49x1024xi1> to vector<49x1024xi32>
    %convert_element_type3A_133 = arith.sitofp %convert_element_type3A_132 : vector<49x1024xi32> to vector<49x1024xf32>
    %convert_element_type3A_134 = arith.fptosi %add3A_107 : vector<49x1024xf32> to vector<49x1024xi32>
    %convert_element_type3A_135 = arith.fptosi %add3A_114 : vector<49x1024xf32> to vector<49x1024xi32>
    %convert_element_type3A_136 = arith.sitofp %convert_element_type3A_134 : vector<49x1024xi32> to vector<49x1024xf32>
    %sub3A_137 = arith.subf %add3A_107, %convert_element_type3A_136 : vector<49x1024xf32>
    %convert_element_type3A_138 = arith.sitofp %convert_element_type3A_135 : vector<49x1024xi32> to vector<49x1024xf32>
    %sub3A_139 = arith.subf %add3A_114, %convert_element_type3A_138 : vector<49x1024xf32>
    %jit3A_140 = arith.constant 0 : i32
    %jit3A_141 = arith.constant 127 : i32
    %max3A = vector.broadcast %jit3A_140 : i32 to vector<49x1024xi32>
    %max3A_142 = arith.maxsi %max3A, %convert_element_type3A_134 : vector<49x1024xi32>
    %min3A = vector.broadcast %jit3A_141 : i32 to vector<49x1024xi32>
    %min3A_143 = arith.minsi %min3A, %max3A_142 : vector<49x1024xi32>
    %add3A_144 = arith.constant 1 : i32
    %add3A_145 = vector.broadcast %add3A_144 : i32 to vector<49x1024xi32>
    %add3A_146 = arith.addi %convert_element_type3A_134, %add3A_145 : vector<49x1024xi32>
    %jit3A_147 = arith.constant 0 : i32
    %jit3A_148 = arith.constant 127 : i32
    %max3A_149 = vector.broadcast %jit3A_147 : i32 to vector<49x1024xi32>
    %max3A_150 = arith.maxsi %max3A_149, %add3A_146 : vector<49x1024xi32>
    %min3A_151 = vector.broadcast %jit3A_148 : i32 to vector<49x1024xi32>
    %min3A_152 = arith.minsi %min3A_151, %max3A_150 : vector<49x1024xi32>
    %jit3A_153 = arith.constant 0 : i32
    %jit3A_154 = arith.constant 127 : i32
    %max3A_155 = vector.broadcast %jit3A_153 : i32 to vector<49x1024xi32>
    %max3A_156 = arith.maxsi %max3A_155, %convert_element_type3A_135 : vector<49x1024xi32>
    %min3A_157 = vector.broadcast %jit3A_154 : i32 to vector<49x1024xi32>
    %min3A_158 = arith.minsi %min3A_157, %max3A_156 : vector<49x1024xi32>
    %add3A_159 = arith.constant 1 : i32
    %add3A_160 = vector.broadcast %add3A_159 : i32 to vector<49x1024xi32>
    %add3A_161 = arith.addi %convert_element_type3A_135, %add3A_160 : vector<49x1024xi32>
    %jit3A_162 = arith.constant 0 : i32
    %jit3A_163 = arith.constant 127 : i32
    %max3A_164 = vector.broadcast %jit3A_162 : i32 to vector<49x1024xi32>
    %max3A_165 = arith.maxsi %max3A_164, %add3A_161 : vector<49x1024xi32>
    %min3A_166 = vector.broadcast %jit3A_163 : i32 to vector<49x1024xi32>
    %min3A_167 = arith.minsi %min3A_166, %max3A_165 : vector<49x1024xi32>
    %mul3A_168 = arith.constant 16384 : i32
    %mul3A_169 = vector.broadcast %mul3A_168 : i32 to vector<1x1024xi32>
    %mul3A_170 = arith.muli %convert_element_type3A, %mul3A_169 : vector<1x1024xi32>
    %mul3A_171 = arith.constant 128 : i32
    %mul3A_172 = vector.broadcast %mul3A_171 : i32 to vector<49x1024xi32>
    %mul3A_173 = arith.muli %min3A_158, %mul3A_172 : vector<49x1024xi32>
    %add3A_174 = vector.broadcast %mul3A_170 : vector<1x1024xi32> to vector<49x1024xi32>
    %add3A_175 = arith.addi %add3A_174, %mul3A_173 : vector<49x1024xi32>
    %add3A_176 = arith.addi %add3A_175, %min3A_143 : vector<49x1024xi32>
    %swap3A = arith.constant 0 : index
    %swap3A_177 = arith.constant 0 : index
    %swap3A_178 = arith.constant 0 : index
    %swap3A_179 = vector.load %arg1[%swap3A, %swap3A_177, %swap3A_178] : memref<4x49x1024xi32, #tpu.memory_space<vmem>>, vector<1x49x1024xi32>
    %swap3A_180 = vector.shape_cast %swap3A_179 : vector<1x49x1024xi32> to vector<49x1024xi32>
    %swap3A_181 = vector.shape_cast %add3A_176 : vector<49x1024xi32> to vector<1x49x1024xi32>
    tpu.vector_store %arg1[%swap3A, %swap3A_177, %swap3A_178], %swap3A_181 {strides = array<i32>} : memref<4x49x1024xi32, #tpu.memory_space<vmem>>, vector<1x49x1024xi32>,
    %mul3A_182 = arith.constant 128 : i32
    %mul3A_183 = vector.broadcast %mul3A_182 : i32 to vector<49x1024xi32>
    %mul3A_184 = arith.muli %min3A_158, %mul3A_183 : vector<49x1024xi32>
    %add3A_185 = vector.broadcast %mul3A_170 : vector<1x1024xi32> to vector<49x1024xi32>
    %add3A_186 = arith.addi %add3A_185, %mul3A_184 : vector<49x1024xi32>
    %add3A_187 = arith.addi %add3A_186, %min3A_152 : vector<49x1024xi32>
    %swap3A_188 = arith.constant 1 : index
    %swap3A_189 = arith.constant 0 : index
    %swap3A_190 = arith.constant 0 : index
    %swap3A_191 = vector.load %arg1[%swap3A_188, %swap3A_189, %swap3A_190] : memref<4x49x1024xi32, #tpu.memory_space<vmem>>, vector<1x49x1024xi32>
    %swap3A_192 = vector.shape_cast %swap3A_191 : vector<1x49x1024xi32> to vector<49x1024xi32>
    %swap3A_193 = vector.shape_cast %add3A_187 : vector<49x1024xi32> to vector<1x49x1024xi32>
    tpu.vector_store %arg1[%swap3A_188, %swap3A_189, %swap3A_190], %swap3A_193 {strides = array<i32>} : memref<4x49x1024xi32, #tpu.memory_space<vmem>>, vector<1x49x1024xi32>,
    %mul3A_194 = arith.constant 128 : i32
    %mul3A_195 = vector.broadcast %mul3A_194 : i32 to vector<49x1024xi32>
    %mul3A_196 = arith.muli %min3A_167, %mul3A_195 : vector<49x1024xi32>
    %add3A_197 = vector.broadcast %mul3A_170 : vector<1x1024xi32> to vector<49x1024xi32>
    %add3A_198 = arith.addi %add3A_197, %mul3A_196 : vector<49x1024xi32>
    %add3A_199 = arith.addi %add3A_198, %min3A_143 : vector<49x1024xi32>
    %swap3A_200 = arith.constant 2 : index
    %swap3A_201 = arith.constant 0 : index
    %swap3A_202 = arith.constant 0 : index
    %swap3A_203 = vector.load %arg1[%swap3A_200, %swap3A_201, %swap3A_202] : memref<4x49x1024xi32, #tpu.memory_space<vmem>>, vector<1x49x1024xi32>
    %swap3A_204 = vector.shape_cast %swap3A_203 : vector<1x49x1024xi32> to vector<49x1024xi32>
    %swap3A_205 = vector.shape_cast %add3A_199 : vector<49x1024xi32> to vector<1x49x1024xi32>
    tpu.vector_store %arg1[%swap3A_200, %swap3A_201, %swap3A_202], %swap3A_205 {strides = array<i32>} : memref<4x49x1024xi32, #tpu.memory_space<vmem>>, vector<1x49x1024xi32>,
    %mul3A_206 = arith.constant 128 : i32
    %mul3A_207 = vector.broadcast %mul3A_206 : i32 to vector<49x1024xi32>
    %mul3A_208 = arith.muli %min3A_167, %mul3A_207 : vector<49x1024xi32>
    %add3A_209 = vector.broadcast %mul3A_170 : vector<1x1024xi32> to vector<49x1024xi32>
    %add3A_210 = arith.addi %add3A_209, %mul3A_208 : vector<49x1024xi32>
    %add3A_211 = arith.addi %add3A_210, %min3A_152 : vector<49x1024xi32>
    %swap3A_212 = arith.constant 3 : index
    %swap3A_213 = arith.constant 0 : index
    %swap3A_214 = arith.constant 0 : index
    %swap3A_215 = vector.load %arg1[%swap3A_212, %swap3A_213, %swap3A_214] : memref<4x49x1024xi32, #tpu.memory_space<vmem>>, vector<1x49x1024xi32>
    %swap3A_216 = vector.shape_cast %swap3A_215 : vector<1x49x1024xi32> to vector<49x1024xi32>
    %swap3A_217 = vector.shape_cast %add3A_211 : vector<49x1024xi32> to vector<1x49x1024xi32>
    tpu.vector_store %arg1[%swap3A_212, %swap3A_213, %swap3A_214], %swap3A_217 {strides = array<i32>} : memref<4x49x1024xi32, #tpu.memory_space<vmem>>, vector<1x49x1024xi32>,
    %sub3A_218 = arith.constant 1.000000e+00 : f32
    %sub3A_219 = vector.broadcast %sub3A_218 : f32 to vector<49x1024xf32>
    %sub3A_220 = arith.subf %sub3A_219, %sub3A_139 : vector<49x1024xf32>
    %sub3A_221 = arith.constant 1.000000e+00 : f32
    %sub3A_222 = vector.broadcast %sub3A_221 : f32 to vector<49x1024xf32>
    %sub3A_223 = arith.subf %sub3A_222, %sub3A_137 : vector<49x1024xf32>
    %mul3A_224 = arith.mulf %sub3A_220, %sub3A_223 : vector<49x1024xf32>
    %mul3A_225 = arith.mulf %mul3A_224, %convert_element_type3A_133 : vector<49x1024xf32>
    %swap3A_226 = arith.constant 0 : index
    %swap3A_227 = arith.constant 0 : index
    %swap3A_228 = arith.constant 0 : index
    %swap3A_229 = vector.load %arg2[%swap3A_226, %swap3A_227, %swap3A_228] : memref<4x49x1024xf32, #tpu.memory_space<vmem>>, vector<1x49x1024xf32>
    %swap3A_230 = vector.shape_cast %swap3A_229 : vector<1x49x1024xf32> to vector<49x1024xf32>
    %swap3A_231 = vector.shape_cast %mul3A_225 : vector<49x1024xf32> to vector<1x49x1024xf32>
    tpu.vector_store %arg2[%swap3A_226, %swap3A_227, %swap3A_228], %swap3A_231 {strides = array<i32>} : memref<4x49x1024xf32, #tpu.memory_space<vmem>>, vector<1x49x1024xf32>,
    %sub3A_232 = arith.constant 1.000000e+00 : f32
    %sub3A_233 = vector.broadcast %sub3A_232 : f32 to vector<49x1024xf32>
    %sub3A_234 = arith.subf %sub3A_233, %sub3A_139 : vector<49x1024xf32>
    %mul3A_235 = arith.mulf %sub3A_234, %sub3A_137 : vector<49x1024xf32>
    %mul3A_236 = arith.mulf %mul3A_235, %convert_element_type3A_133 : vector<49x1024xf32>
    %swap3A_237 = arith.constant 1 : index
    %swap3A_238 = arith.constant 0 : index
    %swap3A_239 = arith.constant 0 : index
    %swap3A_240 = vector.load %arg2[%swap3A_237, %swap3A_238, %swap3A_239] : memref<4x49x1024xf32, #tpu.memory_space<vmem>>, vector<1x49x1024xf32>
    %swap3A_241 = vector.shape_cast %swap3A_240 : vector<1x49x1024xf32> to vector<49x1024xf32>
    %swap3A_242 = vector.shape_cast %mul3A_236 : vector<49x1024xf32> to vector<1x49x1024xf32>
    tpu.vector_store %arg2[%swap3A_237, %swap3A_238, %swap3A_239], %swap3A_242 {strides = array<i32>} : memref<4x49x1024xf32, #tpu.memory_space<vmem>>, vector<1x49x1024xf32>,
    %sub3A_243 = arith.constant 1.000000e+00 : f32
    %sub3A_244 = vector.broadcast %sub3A_243 : f32 to vector<49x1024xf32>
    %sub3A_245 = arith.subf %sub3A_244, %sub3A_137 : vector<49x1024xf32>
    %mul3A_246 = arith.mulf %sub3A_139, %sub3A_245 : vector<49x1024xf32>
    %mul3A_247 = arith.mulf %mul3A_246, %convert_element_type3A_133 : vector<49x1024xf32>
    %swap3A_248 = arith.constant 2 : index
    %swap3A_249 = arith.constant 0 : index
    %swap3A_250 = arith.constant 0 : index
    %swap3A_251 = vector.load %arg2[%swap3A_248, %swap3A_249, %swap3A_250] : memref<4x49x1024xf32, #tpu.memory_space<vmem>>, vector<1x49x1024xf32>
    %swap3A_252 = vector.shape_cast %swap3A_251 : vector<1x49x1024xf32> to vector<49x1024xf32>
    %swap3A_253 = vector.shape_cast %mul3A_247 : vector<49x1024xf32> to vector<1x49x1024xf32>
    tpu.vector_store %arg2[%swap3A_248, %swap3A_249, %swap3A_250], %swap3A_253 {strides = array<i32>} : memref<4x49x1024xf32, #tpu.memory_space<vmem>>, vector<1x49x1024xf32>,
    %mul3A_254 = arith.mulf %sub3A_139, %sub3A_137 : vector<49x1024xf32>
    %mul3A_255 = arith.mulf %mul3A_254, %convert_element_type3A_133 : vector<49x1024xf32>
    %swap3A_256 = arith.constant 3 : index
    %swap3A_257 = arith.constant 0 : index
    %swap3A_258 = arith.constant 0 : index
    %swap3A_259 = vector.load %arg2[%swap3A_256, %swap3A_257, %swap3A_258] : memref<4x49x1024xf32, #tpu.memory_space<vmem>>, vector<1x49x1024xf32>
    %swap3A_260 = vector.shape_cast %swap3A_259 : vector<1x49x1024xf32> to vector<49x1024xf32>
    %swap3A_261 = vector.shape_cast %mul3A_255 : vector<49x1024xf32> to vector<1x49x1024xf32>
    tpu.vector_store %arg2[%swap3A_256, %swap3A_257, %swap3A_258], %swap3A_261 {strides = array<i32>} : memref<4x49x1024xf32, #tpu.memory_space<vmem>>, vector<1x49x1024xf32>,
    return
  }
}

</mosaic_0001>

<sc_bundles>
// kernel: kernel.4.cloned.1.call-start
scs
__scs_entry_jumppad:
0x0: {  	(pc) =	sbr.rel $0x88, $3  }
0x1: {  	(tag) =	ssettag $0x0;
	lr =	simm.s32 $0x1  }
0x2: {  	[smem:$0x3F9F] =	sst lr;
	_ =	strace $0xD0000000  }
0x3: {  	_ = 	snop  }
0x4: {  	_ = 	snop  }
0x5: {  	_ = 	snop  }
0x6: {  	_ = 	snop  }
0x7: {  	_ = 	snop  }
__scs_overlays_trampoline_lowered:
0x8: {  	[smem:$0x3FAE] =	sst s0  }
0x9: {  	[smem:$0x3FAF] =	sst s1  }
0xa: {  	[smem:$0x3FB0] =	sst s2  }
0xb: {  	[smem:$0x3FB1] =	sst s3  }
0xc: {  	[smem:$0x3FB2] =	sst s4  }
0xd: {  	[smem:$0x3FB3] =	sst s5  }
0xe: {  	[smem:$0x3FB4] =	sst s6  }
0xf: {  	[smem:$0x3FB5] =	sst s7  }
0x10: {  	[smem:$0x3FB6] =	sst s8  }
0x11: {  	[smem:$0x3FB7] =	sst s9;
	s0 =	simm.s32 @!p0 $0x0  }
0x12: {  	s1 =	sld [smem:$0x3F9D];
	s0 =	simm.s32 @p0 $0x1  }
0x13: {  	[smem:$0x3FB8] =	sst s0;
	s0 =	simm.s32 @!p1 $0x0  }
0x14: {  	s2 =	sld [smem:$0x3F9C];
	s0 =	simm.s32 @p1 $0x1  }
0x15: {  	[smem:$0x3FB9] =	sst s0;
	s0 =	simm.s32 @!p2 $0x0  }
0x16: {  	s3 =	sld [smem:$0x3FDB];
	s0 =	simm.s32 @p2 $0x1  }
0x17: {  	s4 =	simm.s32 $0x1BF5;
	[smem:$0x3FBB] =	sst s0  }
0x18: {  	s0 =	sld [smem:$0x3F9E];
	_ =	swait.ge [sflag:s4], $0x0  }
0x19: {  	s7 =	sld [smem:$0x3F9F]  }
0x1a: {  	s8 =	sadd.s32 $0xFFFFE003, lr  }
0x1b: {  	s9 =	sadd.s32 $0xFFFFFEF7, lr;
	s5 =	simm.s32 $0xFFFFFFFF;
	p2 =	slt.u32 s8, $0xFFFFF086  }
0x1c: {  	p1 =	slt.u32 s9, $0xF7A;
	s5 =	simm.s32 @!p2 $0x0  }
0x1d: {  	s5 =	simm.s32 @p1 $0x1;
	p0 =	seq.s32 s7, s2  }
0x1e: {  	s7 =	smul.u32 @!p0 $0xF7A, s2;
	p2 =	seq.s32 @!p0 s5, $0x0  }
0x1f: {  	s9 =	smul.u32 $0xF7A, s1;
	s8 =	simm.s32 @!p0 $0x1BF5;
	p2 =	por !p2, p0  }
0x20: {  	[sflag:s8] =	ssyncset.s32 @!p0 $0xFFFFF086;
	s6 =	sadd.s32 @!p0 s3, s7;
	s7 =	simm.s32 @!p0 $0x108  }
0x21: {  	s3 =	sadd.s32 s3, s9;
	s6 =	sadd.s32 @!p0 $0x88, s6;
	s7 =	simm.s32 @p2 $0x1082  }
0x22: {  	[simem:s7], [sflag:s8] =	dma.local @!p0 [hbm:s6], $0xF7A  }
0x23: {  	s9 =	sor.u32 $0xD0000000, s2;
	s6 =	simm.s32 $0x108;
	_ =	swait.ge @!p0 [sflag:s8], $0x0  }
0x24: {  	s3 =	sadd.s32 $0x88, s3;
	s6 =	simm.s32 @!p1 $0x1082;
	[sflag:s4] =	ssyncset.s32 $0xFFFFF086  }
0x25: {  	[simem:s6], [sflag:s4] =	dma.local [hbm:s3], $0xF7A  }
0x26: {  	[smem:$0x3F9F] =	sst s1;
	(tag) =	ssettag s2;
	_ =	strace s9  }
0x27: {  	s1 =	sld [smem:$0x3FAF]  }
0x28: {  	s2 =	sld [smem:$0x3FB0]  }
0x29: {  	s4 =	sld [smem:$0x3FB2]  }
0x2a: {  	p0 =	seq.s32 s5, $0x0;
	s5 =	sld [smem:$0x3FB3]  }
0x2b: {  	s6 =	sld [smem:$0x3FB4]  }
0x2c: {  	s7 =	sld [smem:$0x3FB5]  }
0x2d: {  	s3 =	simm.s32 $0x108;
	s8 =	sld [smem:$0x3FB6]  }
0x2e: {  	s3 =	simm.s32 @!p0 $0x1082;
	s9 =	sld [smem:$0x3FB7]  }
0x2f: {  	lr =	sadd.s32 s0, s3;
	s0 =	sld [smem:$0x3FAE]  }
0x30: {  	s3 =	sld [smem:$0x3FB1]  }
0x31: {  	[smem:$0x3FBA] =	sst s10  }
0x32: {  	s10 =	sld [smem:$0x3FB8];
	_ =	sdelay $0x3  }
0x33: {  	p0 =	seq.s32 s10, $0x1;
	s10 =	sld [smem:$0x3FBA];
	_ =	sdelay $0x3  }
0x34: {  	[smem:$0x3FBA] =	sst s10  }
0x35: {  	s10 =	sld [smem:$0x3FB9];
	_ =	sdelay $0x3  }
0x36: {  	p1 =	seq.s32 s10, $0x1;
	s10 =	sld [smem:$0x3FBA];
	_ =	sdelay $0x3  }
0x37: {  	[smem:$0x3FBA] =	sst s10  }
0x38: {  	s10 =	sld [smem:$0x3FBB]  }
0x39: {  	_ = 	snop;
	(pc) =	sbr.ind lr, $3  }
0x3a: {  	_ = 	snop  }
0x3b: {  	_ = 	snop  }
0x3c: {  	p2 =	seq.s32 s10, $0x1;
	s10 =	sld [smem:$0x3FBA]  }
0x3d: {  	_ =	shalt  }
0x3e: {  	_ =	shalt  }
0x3f: {  	_ =	shalt  }
0x40: {  	_ =	shalt  }
0x41: {  	_ =	shalt  }
0x42: {  	_ =	shalt  }
0x43: {  	_ =	shalt  }
0x44: {  	_ =	shalt  }
0x45: {  	_ =	shalt  }
0x46: {  	_ =	shalt  }
0x47: {  	_ =	shalt  }
0x48: {  	_ =	shalt  }
0x49: {  	_ =	shalt  }
0x4a: {  	_ =	shalt  }
0x4b: {  	_ =	shalt  }
0x4c: {  	_ =	shalt  }
0x4d: {  	_ =	shalt  }
0x4e: {  	_ =	shalt  }
0x4f: {  	_ =	shalt  }
0x50: {  	_ =	shalt  }
0x51: {  	_ =	shalt  }
0x52: {  	_ =	shalt  }
0x53: {  	_ =	shalt  }
0x54: {  	_ =	shalt  }
0x55: {  	_ =	shalt  }
0x56: {  	_ =	shalt  }
0x57: {  	_ =	shalt  }
0x58: {  	_ =	shalt  }
0x59: {  	_ =	shalt  }
0x5a: {  	_ =	shalt  }
0x5b: {  	_ =	shalt  }
0x5c: {  	_ =	shalt  }
0x5d: {  	_ =	shalt  }
0x5e: {  	_ =	shalt  }
0x5f: {  	_ =	shalt  }
0x60: {  	_ =	shalt  }
0x61: {  	_ =	shalt  }
0x62: {  	_ =	shalt  }
0x63: {  	_ =	shalt  }
0x64: {  	_ =	shalt  }
0x65: {  	_ =	shalt  }
0x66: {  	_ =	shalt  }
0x67: {  	_ =	shalt  }
0x68: {  	_ =	shalt  }
0x69: {  	_ =	shalt  }
0x6a: {  	_ =	shalt  }
0x6b: {  	_ =	shalt  }
0x6c: {  	_ =	shalt  }
0x6d: {  	_ =	shalt  }
0x6e: {  	_ =	shalt  }
0x6f: {  	_ =	shalt  }
0x70: {  	_ =	shalt  }
0x71: {  	_ =	shalt  }
0x72: {  	_ =	shalt  }
0x73: {  	_ =	shalt  }
0x74: {  	_ =	shalt  }
0x75: {  	_ =	shalt  }
0x76: {  	_ =	shalt  }
0x77: {  	_ =	shalt  }
0x78: {  	_ =	shalt  }
0x79: {  	_ =	shalt  }
0x7a: {  	_ =	shalt  }
0x7b: {  	_ =	shalt  }
0x7c: {  	_ =	shalt  }
0x7d: {  	_ =	shalt  }
0x7e: {  	_ =	shalt  }
0x7f: {  	_ =	shalt  }
0x80: {  	_ =	shalt  }
0x81: {  	_ =	shalt  }
0x82: {  	_ =	shalt  }
0x83: {  	_ =	shalt  }
0x84: {  	_ =	shalt  }
0x85: {  	_ =	shalt  }
0x86: {  	_ =	shalt  }
0x87: {  	_ =	shalt  }
.Lfunc_end0:
.L_simem_size_0:
called_computation.1_lowered:
.L_overlay_start_0:
0x88: {  	s2 =	sld [smem:$0x3FD9]  }
0x89: {  	s3 =	sld [smem:$0x3FFE];
	_ =	sdelay $0x1  }
0x8a: {  	s1 =	srdreg.scid  }
0x8b: {  	s0 =	sand.u32 $0x1, s1  }
0x8c: {  	s17 =	sshll.u32 s0, $0xA;
	s2 =	sadd.s32 s3, s2  }
0x8d: {  	s2 =	sadd.s32 s2, s17  }
0x8e: {  	[smem:$0x3FC6] =	sst s2  }
0x8f: {  	_ = 	snop  }
0x90: {  	s2 =	sld [smem:$0x3FD0];
	(tm) =	ssettm $0x1  }
0x91: {  	s18 =	sld [smem:$0x3FFB];
	_ =	sdelay $0x3  }
0x92: {  	_ =	strace s18  }
0x93: {  	s3 =	sld [smem:$0x3FFC];
	_ =	sdelay $0x3  }
0x94: {  	_ =	strace s3  }
0x95: {  	s3 =	sld [smem:$0x3FFD];
	_ =	sdelay $0x3  }
0x96: {  	_ =	strace s3  }
0x97: {  	_ =	strace $0x8FFFFFFF  }
0x98: {  	s19 =	sld [smem:$0x3FDB];
	_ =	sdelay $0x1  }
0x99: {  	s4 =	simm.s32 $_scs_section_size  }
0x9a: {  	s5 =	simm.s32 $_size__tile_overlayer_lowered;
	s6 =	simm.s32 $_tile_overlayer_lowered  }
0x9b: {  	s22 =	simm.s32 $0x1BFF;
	s21 =	sshll.u32 s6, $0x1;
	s3 =	sadd.s32 s4, s19  }
0x9c: {  	s7 =	simm.s32 $0x0;
	s20 =	sshll.u32 s5, $0x1;
	s5 =	sadd.s32 s21, s3  }
0x9d: {  	[timem:s7], [sflag:s22] =	dma.local [hbm:s5], s20  }
0x9e: {  	_ =	swait.ge [sflag:s22], s20  }
0x9f: {  	s4 =	ssub.s32 $0x0, s20;
	[sflag:s22] =	ssyncset.done $0x0  }
0xa0: {  	[sflag:s22] =	ssyncadd.s32 s4;
	_ =	sdelay $0x1  }
0xa1: {  	s23 =	simm.s32 $0x1B8B  }
0xa2: {  	_ =	swait.ge [sflag:s23], $0x1  }
0xa3: {  	[sflag:s23] =	ssyncset.done $0x0  }
0xa4: {  	s25 =	simm.s32 $0x1B8E;
	s24 =	sld [smem:$0x3FFE];
	[sflag:s23] =	ssyncadd.s32 $0xFFFFFFFF  }
0xa5: {  	s26 =	simm.s32 $execute0_lowered;
	[smem:$0x3FD2] =	sst s25  }
0xa6: {  	s5 =	sshll.u32 s26, $0x1;
	_ =	strace $0x80000049;
	[dreg:$0x1] =	wrdreg $0xFFFFFFFF  }
0xa7: {  	s28 =	simm.s32 $_size_execute0_lowered;
	s3 =	sadd.s32 s3, s5;
	[dreg:$0x0] =	wrdreg $0x0  }
0xa8: {  	s5 =	sshll.u32 s28, $0x1;
	[dreg:$0x2] =	wrdreg s3  }
0xa9: {  	[dreg:$0x3] =	wrdreg s5  }
0xaa: {  	[dreg:$0x4] =	wrdreg $0xC0  }
0xab: {  	_ =	task [dreg:s7], $0x5FFFF  }
0xac: {  	[dreg:$0x1] =	wrdreg $0xFFFFFFFF  }
0xad: {  	[dreg:$0x0] =	wrdreg $0x60  }
0xae: {  	[dreg:$0x2] =	wrdreg s2  }
0xaf: {  	[dreg:$0x3] =	wrdreg s24  }
0xb0: {  	[dreg:$0x4] =	wrdreg $0x9  }
0xb1: {  	_ =	task.clear_ibuf [dreg:s7], $0x5FFFF;
	_ =	strace $0x90000049  }
0xb2: {  	s29 =	simm.s32 $0x9;
	_ =	strace $0x80000054  }
0xb3: {  	_ =	swait.ge [sflag:s29], $0x1  }
0xb4: {  	[sflag:s29] =	ssyncadd.s32 $0xFFFFFFFF  }
0xb5: {  	_ =	strace $0x90000054  }
0xb6: {  	_ =	sfence  }
0xb7: {  	s30 =	sld [smem:$0x0];
	_ =	sdelay $0x2  }
0xb8: {  	s31 =	sshll.u32 s1, $0xD;
	s1 =	sshrl.u32 s1, $0x2  }
0xb9: {  	s3 =	sand.u32 $0x4000, s31;
	s1 =	sadd.s32 s1, s30  }
0xba: {  	s0 =	sor.u32 s3, s0;
	s1 =	sshll.u32 s1, $0x11  }
0xbb: {  	s0 =	sor.u32 s1, s0  }
0xbc: {  	s0 =	sadd.s32 $0x8F2B, s0  }
0xbd: {  	[sflag:s0] =	ssyncadd.remote.s32 $0x1  }
0xbe: {  	_ =	sfence.sel $0xFFFF  }
0xbf: {  	[dreg:$0x0] =	wrdreg $0xFFFFFFFF;
	(pc) =	sbr.abs _section_cstart, $3  }
0xc0: {  	[dreg:$0x1] =	wrdreg $0xFFFFFFFF  }
0xc1: {  	_ =	task.clear_ibuf [dreg:s7], $0x2FFFF;
	_ =	strace $0x9FFFFFFF  }
0xc2: {  	(tm) =	ssettm $0x7FFFFFFF  }
0xc3: {  	_ =	shalt  }
tec
execute0_lowered:
.L_overlay_start_1:
0x0: {  	(tag) =	ssettag $0x1  }
0x1: {  	s2 =	rddreg [dreg:$0x0]  }
0x2: {  	s0 =	srdreg.scid;
	s1 =	rddreg [dreg:$0x1]  }
0x3: {  	s6 =	stileid.u32;
	s4 =	simm.s32 $0x0;
	s0 =	sand.u32 $0x1, s0  }
0x4: {  	s23 =	simm.s32 $0x5800;
	s24 =	simm.s32 $0x6000;
	s3 =	sshll.u32 s0, $0x4  }
0x5: {  	s25 =	simm.s32 $0x6800;
	s26 =	simm.s32 $0x7000;
	s3 =	sor.u32 s6, s3  }
0x6: {  	s28 =	simm.s32 $0x7800;
	s29 =	simm.s32 $0x1;
	s5 =	smul.u32 $0x1880, s3  }
0x7: {  	[smem:$0x7FF] =	sst s4;
	s0 =	ssub.s32 $0x2, s0;
	s6 =	sshll.u32 s6, $0x7  }
0x8: {  	s8 =	sshrl.u32 s0, $0x1;
	s6 =	sand.u32 $0x380, s6;
	s7 =	sand.u32 $0x3FC00, s5  }
0x9: {  	s4 =	sadd.s32 $0xC00, s1;
	s0 =	ssub.s32 s0, s8;
	s7 =	sor.u32 s6, s7  }
0xa: {  	_ =	strace $0x8000004A;
	s0 =	smax.u32 s0, $0x1;
	s30 =	sshrl.u32 s7, $0x3  }
0xb: {  	v2 =	vlaneseq.u32;
	s5 =	sadd.s32 $0x6E00, s1;
	[dreg:$0x5] =	wrdreg s0;
	s31 =	sadd.s32 s4, s30  }
0xc: {  	vm0 =	vmmov $0xffff;
	v1 =	vshrl.u32 v2, $0x3;
	s6 =	sadd.s32 $0xD000, s1;
	s1 =	sadd.s32 s5, s30;
	[dreg:$0x3] =	wrdreg s31  }
0xd: {  	v0 =	vand.u32 $0x7, v2;
	v2 =	vor.u32 $0x8, v2;
	v1 =	vmul.u32 $0x8, v1;
	s7 =	smul.u32 $0x31, s3;
	[dreg:$0x4] =	wrdreg s1;
	s1 =	simm.s32 $0x0  }
.LBB2_1:
0xe: {  	[dreg:$0x6] =	wrdreg s1  }
0xf: {  	s0 =	simm.s32 $0x0;
	s3 =	simm.s32 $0x8000;
	s31 =	simm.s32 $0x8100  }
0x10: {  	s30 =	simm.s32 $0x0;
	s1 =	simm.s32 $0x0;
	_ =	strace $0x8000004B  }
0x11: {  	s11 =	simm.s32 $0x0;
	s12 =	simm.s32 $0x1;
	s21 =	rddreg [dreg:$0x3]  }
0x12: {  	[tilespmem:s3], [sflag:$0x2] =	stream.linear.gather [hbm4b:s21+s0], $0x80, $0x200038;
	[tilespmem:$0xC200] =	vst v63  }
0x13: {  	s8 =	simm.s32 $0x1;
	s9 =	simm.s32 $0x0;
	s22 =	rddreg [dreg:$0x4]  }
0x14: {  	[tilespmem:s31], [sflag:$0x4] =	stream.linear.gather [hbm4b:s22+s0], $0x80, $0x200038;
	[tilespmem:$0xC200] =	vst v63  }
0x15: {  	s3 =	simm.s32 $0x0;
	s0 =	simm.s32 $0x0;
	_ =	strace $0x9000004B  }
.LBB2_2:
0x16: {  	s10 =	sadd.s32 $0x1, s30  }
0x17: {  	p0 =	seq.s32 s10, $0x31  }
0x18: {  	s10 =	simm.s32 @p0 $0x0;
	p0 =	seq.s32 s9, $0x30  }
0x19: {  	p1 =	seq.s32 @!p0 s30, s10  }
0x1a: {  	p2 =	por p1, p0  }
0x1b: {  	s13 =	sadd.s32 @!p2 s7, s10  }
0x1c: {  	s14 =	sand.u32 @!p2 $0x1, s8;
	_ =	strace @!p2 $0x8000004C;
	s13 =	sshll.u32 @!p2 s13, $0x4  }
0x1d: {  	s17 =	simm.s32 @!p2 $0x0;
	s15 =	sshll.u32 @!p2 s14, $0x7;
	s13 =	sand.u32 @!p2 $0x1FFFFFF0, s13  }
0x1e: {  	s14 =	sor.u32 @!p2 $0x2, s14;
	s15 =	sor.u32 @!p2 $0x8000, s15;
	s16 =	sadd.s32 @!p2 s4, s13  }
0x1f: {  	[tilespmem:s15], [sflag:s14] =	stream.linear.gather @!p2 [hbm4b:s16+s17], $0x80, $0x200038;
	[tilespmem:$0xC200] =	vst v63  }
0x20: {  	s14 =	sand.u32 @!p2 $0x1, s12  }
0x21: {  	s13 =	sadd.s32 @!p2 s5, s13;
	_ =	strace @!p2 $0x9000004C;
	s15 =	sshll.u32 @!p2 s14, $0x7  }
0x22: {  	s14 =	sor.u32 @!p2 $0x4, s14;
	_ =	strace @!p2 $0x8000004D;
	s15 =	sor.u32 @!p2 $0x8100, s15  }
0x23: {  	[tilespmem:s15], [sflag:s14] =	stream.linear.gather @!p2 [hbm4b:s13+s17], $0x80, $0x200038;
	[tilespmem:$0xC200] =	vst v63  }
0x24: {  	s21 =	sand.u32 $0x1, s3;
	_ =	strace @!p2 $0x9000004D  }
0x25: {  	s13 =	sor.u32 $0x2, s21;
	_ =	strace $0x8000004E  }
0x26: {  	_ =	swait.ge [sflag:s13], $0x80  }
0x27: {  	[sflag:s13] =	ssyncset.done $0x0  }
0x28: {  	[sflag:s13] =	ssyncadd.s32 $0xFFFFFF80  }
0x29: {  	s22 =	sand.u32 $0x1, s11;
	_ =	strace $0x9000004E  }
0x2a: {  	s13 =	sor.u32 $0x4, s22;
	_ =	strace $0x8000004F  }
0x2b: {  	_ =	swait.ge [sflag:s13], $0x80  }
0x2c: {  	[sflag:s13] =	ssyncset.done $0x0  }
0x2d: {  	[sflag:s13] =	ssyncadd.s32 $0xFFFFFF80  }
0x2e: {  	s14 =	sshll.u32 s3, $0x7;
	_ =	strace $0x9000004F  }
0x2f: {  	s13 =	sand.u32 $0x80, s14;
	_ =	strace $0x80000050  }
0x30: {  	v3 =	vld [tilespmem:s13+$0x8000];
	_ =	sdelay $0x4  }
0x31: {  	v4 =	vshll.u32 v3, $0x1  }
0x32: {  	v3 =	vand.u32 $0x7, v3;
	v4 =	vand.u32 $0xFFFFFFF0, v4  }
0x33: {  	v3 =	vor.u32 v3, v4  }
0x34: {  	v4 =	vperm.xlane v3, v0;
	_ =	sdelay $0x1  }
0x35: {  	v3 =	vperm.xlane v3, v2;
	v4 =	vadd.s32 v1, v4;
	_ =	sdelay $0x1  }
0x36: {  	v3 =	vadd.s32 v1, v3;
	_ =	sdelay $0x1  }
0x37: {  	s31 =	simm.s32 $0x0  }
0x38: {  	[tilespmem:s31], [sflag:$0x1] =	stream.indirect_vreg.gather [hbm4b:s2+s31], $0x80, v4, vm0, $0x2000b8;
	[tilespmem:$0xC200] =	vst v63  }
0x39: {  	s15 =	simm.s32 $0x800  }
0x3a: {  	[tilespmem:s15], [sflag:$0x1] =	stream.indirect_vreg.gather [hbm4b:s2+s31], $0x80, v3, vm0, $0x2000b8;
	[tilespmem:$0xC200] =	vst v63  }
0x3b: {  	v3 =	vld [tilespmem:s13+$0x8010];
	_ =	sdelay $0x4  }
0x3c: {  	v4 =	vshll.u32 v3, $0x1  }
0x3d: {  	v3 =	vand.u32 $0x7, v3;
	v4 =	vand.u32 $0xFFFFFFF0, v4  }
0x3e: {  	v3 =	vor.u32 v3, v4  }
0x3f: {  	v4 =	vperm.xlane v3, v0;
	_ =	sdelay $0x1  }
0x40: {  	v3 =	vperm.xlane v3, v2;
	v4 =	vadd.s32 v1, v4;
	_ =	sdelay $0x1  }
0x41: {  	v3 =	vadd.s32 v1, v3;
	_ =	sdelay $0x1  }
0x42: {  	s16 =	simm.s32 $0x1000  }
0x43: {  	[tilespmem:s16], [sflag:$0x1] =	stream.indirect_vreg.gather [hbm4b:s2+s31], $0x80, v4, vm0, $0x2000b8;
	[tilespmem:$0xC200] =	vst v63  }
0x44: {  	s17 =	simm.s32 $0x1800  }
0x45: {  	[tilespmem:s17], [sflag:$0x1] =	stream.indirect_vreg.gather [hbm4b:s2+s31], $0x80, v3, vm0, $0x2000b8;
	[tilespmem:$0xC200] =	vst v63  }
0x46: {  	v3 =	vld [tilespmem:s13+$0x8020];
	_ =	sdelay $0x4  }
0x47: {  	v4 =	vshll.u32 v3, $0x1  }
0x48: {  	v3 =	vand.u32 $0x7, v3;
	v4 =	vand.u32 $0xFFFFFFF0, v4  }
0x49: {  	v3 =	vor.u32 v3, v4  }
0x4a: {  	v4 =	vperm.xlane v3, v0;
	_ =	sdelay $0x1  }
0x4b: {  	v3 =	vperm.xlane v3, v2;
	v4 =	vadd.s32 v1, v4;
	_ =	sdelay $0x1  }
0x4c: {  	v3 =	vadd.s32 v1, v3;
	_ =	sdelay $0x1  }
0x4d: {  	s18 =	simm.s32 $0x2000  }
0x4e: {  	[tilespmem:s18], [sflag:$0x1] =	stream.indirect_vreg.gather [hbm4b:s2+s31], $0x80, v4, vm0, $0x2000b8;
	[tilespmem:$0xC200] =	vst v63  }
0x4f: {  	s20 =	simm.s32 $0x2800  }
0x50: {  	[tilespmem:s20], [sflag:$0x1] =	stream.indirect_vreg.gather [hbm4b:s2+s31], $0x80, v3, vm0, $0x2000b8;
	[tilespmem:$0xC200] =	vst v63  }
0x51: {  	v3 =	vld [tilespmem:s13+$0x8030];
	_ =	sdelay $0x4  }
0x52: {  	v4 =	vshll.u32 v3, $0x1  }
0x53: {  	v3 =	vand.u32 $0x7, v3;
	v4 =	vand.u32 $0xFFFFFFF0, v4  }
0x54: {  	v3 =	vor.u32 v3, v4  }
0x55: {  	v4 =	vperm.xlane v3, v0;
	_ =	sdelay $0x1  }
0x56: {  	v3 =	vperm.xlane v3, v2;
	v4 =	vadd.s32 v1, v4;
	_ =	sdelay $0x1  }
0x57: {  	v3 =	vadd.s32 v1, v3;
	_ =	sdelay $0x1  }
0x58: {  	s21 =	simm.s32 $0x3000  }
0x59: {  	[tilespmem:s21], [sflag:$0x1] =	stream.indirect_vreg.gather [hbm4b:s2+s31], $0x80, v4, vm0, $0x2000b8;
	[tilespmem:$0xC200] =	vst v63  }
0x5a: {  	s22 =	simm.s32 $0x3800  }
0x5b: {  	[tilespmem:s22], [sflag:$0x1] =	stream.indirect_vreg.gather [hbm4b:s2+s31], $0x80, v3, vm0, $0x2000b8;
	[tilespmem:$0xC200] =	vst v63  }
0x5c: {  	v3 =	vld [tilespmem:s13+$0x8040];
	_ =	sdelay $0x4  }
0x5d: {  	v4 =	vshll.u32 v3, $0x1  }
0x5e: {  	v3 =	vand.u32 $0x7, v3;
	v4 =	vand.u32 $0xFFFFFFF0, v4  }
0x5f: {  	v3 =	vor.u32 v3, v4  }
0x60: {  	v4 =	vperm.xlane v3, v0;
	_ =	sdelay $0x1  }
0x61: {  	v3 =	vperm.xlane v3, v2;
	v4 =	vadd.s32 v1, v4;
	_ =	sdelay $0x1  }
0x62: {  	v3 =	vadd.s32 v1, v3;
	_ =	sdelay $0x1  }
0x63: {  	s15 =	simm.s32 $0x4000  }
0x64: {  	[tilespmem:s15], [sflag:$0x1] =	stream.indirect_vreg.gather [hbm4b:s2+s31], $0x80, v4, vm0, $0x2000b8;
	[tilespmem:$0xC200] =	vst v63  }
0x65: {  	s16 =	simm.s32 $0x4800  }
0x66: {  	[tilespmem:s16], [sflag:$0x1] =	stream.indirect_vreg.gather [hbm4b:s2+s31], $0x80, v3, vm0, $0x2000b8;
	[tilespmem:$0xC200] =	vst v63  }
0x67: {  	v3 =	vld [tilespmem:s13+$0x8050];
	_ =	sdelay $0x4  }
0x68: {  	v4 =	vshll.u32 v3, $0x1  }
0x69: {  	v3 =	vand.u32 $0x7, v3;
	v4 =	vand.u32 $0xFFFFFFF0, v4  }
0x6a: {  	v3 =	vor.u32 v3, v4  }
0x6b: {  	v4 =	vperm.xlane v3, v0;
	_ =	sdelay $0x1  }
0x6c: {  	v3 =	vperm.xlane v3, v2;
	v4 =	vadd.s32 v1, v4;
	_ =	sdelay $0x1  }
0x6d: {  	v3 =	vadd.s32 v1, v3;
	_ =	sdelay $0x1  }
0x6e: {  	s17 =	simm.s32 $0x5000  }
0x6f: {  	[tilespmem:s17], [sflag:$0x1] =	stream.indirect_vreg.gather [hbm4b:s2+s31], $0x80, v4, vm0, $0x2000b8;
	[tilespmem:$0xC200] =	vst v63  }
0x70: {  	_ = 	snop  }
0x71: {  	[tilespmem:s23], [sflag:$0x1] =	stream.indirect_vreg.gather [hbm4b:s2+s31], $0x80, v3, vm0, $0x2000b8;
	[tilespmem:$0xC200] =	vst v63  }
0x72: {  	v3 =	vld [tilespmem:s13+$0x8060];
	_ =	sdelay $0x4  }
0x73: {  	v4 =	vshll.u32 v3, $0x1  }
0x74: {  	v3 =	vand.u32 $0x7, v3;
	v4 =	vand.u32 $0xFFFFFFF0, v4  }
0x75: {  	v3 =	vor.u32 v3, v4  }
0x76: {  	v4 =	vperm.xlane v3, v0;
	_ =	sdelay $0x1  }
0x77: {  	v3 =	vperm.xlane v3, v2;
	v4 =	vadd.s32 v1, v4;
	_ =	sdelay $0x1  }
0x78: {  	v3 =	vadd.s32 v1, v3;
	_ =	sdelay $0x2  }
0x79: {  	[tilespmem:s24], [sflag:$0x1] =	stream.indirect_vreg.gather [hbm4b:s2+s31], $0x80, v4, vm0, $0x2000b8;
	[tilespmem:$0xC200] =	vst v63  }
0x7a: {  	_ = 	snop  }
0x7b: {  	[tilespmem:s25], [sflag:$0x1] =	stream.indirect_vreg.gather [hbm4b:s2+s31], $0x80, v3, vm0, $0x2000b8;
	[tilespmem:$0xC200] =	vst v63  }
0x7c: {  	v3 =	vld [tilespmem:s13+$0x8070];
	_ =	sdelay $0x4  }
0x7d: {  	v4 =	vshll.u32 v3, $0x1  }
0x7e: {  	v3 =	vand.u32 $0x7, v3;
	v4 =	vand.u32 $0xFFFFFFF0, v4  }
0x7f: {  	v3 =	vor.u32 v3, v4  }
0x80: {  	v4 =	vperm.xlane v3, v0;
	_ =	sdelay $0x1  }
0x81: {  	v3 =	vperm.xlane v3, v2;
	v4 =	vadd.s32 v1, v4;
	_ =	sdelay $0x1  }
0x82: {  	v3 =	vadd.s32 v1, v3;
	_ =	sdelay $0x2  }
0x83: {  	[tilespmem:s26], [sflag:$0x1] =	stream.indirect_vreg.gather [hbm4b:s2+s31], $0x80, v4, vm0, $0x2000b8;
	[tilespmem:$0xC200] =	vst v63  }
0x84: {  	_ = 	snop  }
0x85: {  	[tilespmem:s28], [sflag:$0x1] =	stream.indirect_vreg.gather [hbm4b:s2+s31], $0x80, v3, vm0, $0x2000b8;
	[tilespmem:$0xC200] =	vst v63  }
0x86: {  	_ =	swait.ge [sflag:s29], $0x2000  }
0x87: {  	[sflag:s29] =	ssyncset.done $0x0  }
0x88: {  	[sflag:s29] =	ssyncadd.s32 $0xFFFFE000  }
0x89: {  	_ =	swait.ge [sflag:s29], $0x2000  }
0x8a: {  	[sflag:s29] =	ssyncset.done $0x0  }
0x8b: {  	[sflag:s29] =	ssyncadd.s32 $0xFFFFE000  }
0x8c: {  	_ =	swait.ge [sflag:s29], $0x2000  }
0x8d: {  	[sflag:s29] =	ssyncset.done $0x0  }
0x8e: {  	v3 =	vmov s31;
	[sflag:s29] =	ssyncadd.s32 $0xFFFFE000  }
0x8f: {  	s18 =	sshll.u32 s11, $0x7;
	_ =	swait.ge [sflag:s29], $0x2000  }
0x90: {  	s20 =	sand.u32 $0x1800, s31;
	s21 =	sand.u32 $0x380, s31;
	v4 =	vor.u32 $0x20, v3;
	[sflag:s29] =	ssyncset.done $0x0  }
0x91: {  	s22 =	sand.u32 $0x80, s18;
	s13 =	sor.u32 s21, s20;
	v7 =	vor.u32 $0x40, v3;
	[sflag:s29] =	ssyncadd.s32 $0xFFFFE000  }
0x92: {  	s16 =	sor.u32 $0x8100, s22;
	v8 =	vld [tilespmem:s13+$0x2000]  }
0x93: {  	v9 =	vor.u32 $0x60, v3;
	v5 =	vld.idx.msk [tilespmem:v3+s16+$0x0], $0xffff  }
0x94: {  	v3 =	vld [tilespmem:s13+$0x0]  }
0x95: {  	v6 =	vld.idx.msk [tilespmem:v4+s16+$0x0], $0xffff  }
0x96: {  	v4 =	vld.idx.msk [tilespmem:v7+s16+$0x0], $0xffff  }
0x97: {  	v10 =	vld [tilespmem:s13+$0x4000]  }
0x98: {  	v7 =	vld.idx.msk [tilespmem:v9+s16+$0x0], $0xffff  }
0x99: {  	v9 =	vld [tilespmem:s13+$0x6000]  }
0x9a: {  	s14 =	sand.u32 $0x1, s1;
	v3 =	vmul.f32 v3, v5;
	v8 =	vmul.f32 v8, v6  }
0x9b: {  	s17 =	sshll.u32 s14, $0xD  }
0x9c: {  	s15 =	sor.u32 $0x8200, s17;
	v10 =	vmul.f32 v10, v4;
	v8 =	vadd.f32 v8, v3  }
0x9d: {  	v3 =	vmov s15  }
0x9e: {  	v9 =	vmul.f32 v9, v7;
	v8 =	vadd.f32 v10, v8;
	_ =	sdelay $0x1  }
0x9f: {  	v8 =	vadd.f32 v9, v8;
	_ =	sdelay $0x1  }
0xa0: {  	[tilespmem:v3+s13+$0x0 ss:$0x1] =	vst.idx.msk $0xffff, v8  }
0xa1: {  	v8 =	vld [tilespmem:s13+$0x10]  }
0xa2: {  	v9 =	vld [tilespmem:s13+$0x2010];
	_ =	sdelay $0x1  }
0xa3: {  	v10 =	vld [tilespmem:s13+$0x4010];
	_ =	sdelay $0x1  }
0xa4: {  	v11 =	vld [tilespmem:s13+$0x6010]  }
0xa5: {  	v8 =	vmul.f32 v8, v5;
	v9 =	vmul.f32 v9, v6;
	_ =	sdelay $0x1  }
0xa6: {  	v8 =	vadd.f32 v9, v8;
	v9 =	vmul.f32 v10, v4;
	_ =	sdelay $0x1  }
0xa7: {  	v8 =	vadd.f32 v9, v8;
	v9 =	vmul.f32 v11, v7;
	_ =	sdelay $0x1  }
0xa8: {  	v8 =	vadd.f32 v9, v8  }
0xa9: {  	s18 =	sor.u32 $0x10, s13  }
0xaa: {  	[tilespmem:v3+s18+$0x0 ss:$0x1] =	vst.idx.msk $0xffff, v8  }
0xab: {  	v8 =	vld [tilespmem:s13+$0x20]  }
0xac: {  	v9 =	vld [tilespmem:s13+$0x2020];
	_ =	sdelay $0x1  }
0xad: {  	v10 =	vld [tilespmem:s13+$0x4020];
	_ =	sdelay $0x1  }
0xae: {  	v11 =	vld [tilespmem:s13+$0x6020]  }
0xaf: {  	v8 =	vmul.f32 v8, v5;
	v9 =	vmul.f32 v9, v6;
	_ =	sdelay $0x1  }
0xb0: {  	v8 =	vadd.f32 v9, v8;
	v9 =	vmul.f32 v10, v4;
	_ =	sdelay $0x1  }
0xb1: {  	v8 =	vadd.f32 v9, v8;
	v9 =	vmul.f32 v11, v7;
	_ =	sdelay $0x1  }
0xb2: {  	v8 =	vadd.f32 v9, v8  }
0xb3: {  	s20 =	sor.u32 $0x20, s13  }
0xb4: {  	[tilespmem:v3+s20+$0x0 ss:$0x1] =	vst.idx.msk $0xffff, v8  }
0xb5: {  	v8 =	vld [tilespmem:s13+$0x30]  }
0xb6: {  	v9 =	vld [tilespmem:s13+$0x2030];
	_ =	sdelay $0x1  }
0xb7: {  	v10 =	vld [tilespmem:s13+$0x4030];
	_ =	sdelay $0x1  }
0xb8: {  	v11 =	vld [tilespmem:s13+$0x6030]  }
0xb9: {  	v8 =	vmul.f32 v8, v5;
	v9 =	vmul.f32 v9, v6;
	_ =	sdelay $0x1  }
0xba: {  	v8 =	vadd.f32 v9, v8;
	v9 =	vmul.f32 v10, v4;
	_ =	sdelay $0x1  }
0xbb: {  	v10 =	vmul.f32 v11, v7;
	v8 =	vadd.f32 v9, v8;
	_ =	sdelay $0x1  }
0xbc: {  	v8 =	vadd.f32 v10, v8  }
0xbd: {  	s21 =	sor.u32 $0x30, s13  }
0xbe: {  	[tilespmem:v3+s21+$0x0 ss:$0x1] =	vst.idx.msk $0xffff, v8  }
0xbf: {  	v8 =	vld [tilespmem:s13+$0x40]  }
0xc0: {  	v9 =	vld [tilespmem:s13+$0x2040];
	_ =	sdelay $0x1  }
0xc1: {  	v10 =	vld [tilespmem:s13+$0x4040];
	_ =	sdelay $0x1  }
0xc2: {  	v11 =	vld [tilespmem:s13+$0x6040]  }
0xc3: {  	v8 =	vmul.f32 v8, v5;
	v9 =	vmul.f32 v9, v6;
	_ =	sdelay $0x1  }
0xc4: {  	v10 =	vmul.f32 v10, v4;
	v8 =	vadd.f32 v9, v8;
	_ =	sdelay $0x1  }
0xc5: {  	v9 =	vmul.f32 v11, v7;
	v8 =	vadd.f32 v10, v8;
	_ =	sdelay $0x1  }
0xc6: {  	v8 =	vadd.f32 v9, v8  }
0xc7: {  	s22 =	sor.u32 $0x40, s13  }
0xc8: {  	[tilespmem:v3+s22+$0x0 ss:$0x1] =	vst.idx.msk $0xffff, v8  }
0xc9: {  	v8 =	vld [tilespmem:s13+$0x2050]  }
0xca: {  	v9 =	vld [tilespmem:s13+$0x50];
	_ =	sdelay $0x1  }
0xcb: {  	v10 =	vld [tilespmem:s13+$0x4050];
	_ =	sdelay $0x1  }
0xcc: {  	v11 =	vld [tilespmem:s13+$0x6050]  }
0xcd: {  	v8 =	vmul.f32 v8, v6;
	v9 =	vmul.f32 v9, v5;
	_ =	sdelay $0x1  }
0xce: {  	v10 =	vmul.f32 v10, v4;
	v8 =	vadd.f32 v8, v9;
	_ =	sdelay $0x1  }
0xcf: {  	v9 =	vmul.f32 v11, v7;
	v8 =	vadd.f32 v10, v8;
	_ =	sdelay $0x1  }
0xd0: {  	v8 =	vadd.f32 v9, v8  }
0xd1: {  	s18 =	sor.u32 $0x50, s13  }
0xd2: {  	[tilespmem:v3+s18+$0x0 ss:$0x1] =	vst.idx.msk $0xffff, v8  }
0xd3: {  	v8 =	vld [tilespmem:s13+$0x60]  }
0xd4: {  	v9 =	vld [tilespmem:s13+$0x2060];
	_ =	sdelay $0x1  }
0xd5: {  	v10 =	vld [tilespmem:s13+$0x4060];
	_ =	sdelay $0x1  }
0xd6: {  	v11 =	vld [tilespmem:s13+$0x6060]  }
0xd7: {  	v8 =	vmul.f32 v8, v5;
	v9 =	vmul.f32 v9, v6;
	_ =	sdelay $0x1  }
0xd8: {  	v8 =	vadd.f32 v9, v8;
	v9 =	vmul.f32 v10, v4;
	_ =	sdelay $0x1  }
0xd9: {  	v10 =	vmul.f32 v11, v7;
	v8 =	vadd.f32 v9, v8;
	_ =	sdelay $0x1  }
0xda: {  	v8 =	vadd.f32 v10, v8  }
0xdb: {  	s20 =	sor.u32 $0x60, s13  }
0xdc: {  	[tilespmem:v3+s20+$0x0 ss:$0x1] =	vst.idx.msk $0xffff, v8  }
0xdd: {  	v8 =	vld [tilespmem:s13+$0x70]  }
0xde: {  	v9 =	vld [tilespmem:s13+$0x2070];
	_ =	sdelay $0x1  }
0xdf: {  	v10 =	vld [tilespmem:s13+$0x4070];
	_ =	sdelay $0x1  }
0xe0: {  	v11 =	vld [tilespmem:s13+$0x6070]  }
0xe1: {  	v8 =	vmul.f32 v8, v5;
	v9 =	vmul.f32 v9, v6;
	_ =	sdelay $0x1  }
0xe2: {  	v10 =	vmul.f32 v10, v4;
	v8 =	vadd.f32 v9, v8;
	_ =	sdelay $0x1  }
0xe3: {  	v9 =	vmul.f32 v11, v7;
	v8 =	vadd.f32 v10, v8;
	_ =	sdelay $0x1  }
0xe4: {  	v8 =	vadd.f32 v9, v8  }
0xe5: {  	s21 =	sor.u32 $0x70, s13  }
0xe6: {  	[tilespmem:v3+s21+$0x0 ss:$0x1] =	vst.idx.msk $0xffff, v8  }
0xe7: {  	v8 =	vld [tilespmem:s13+$0x400]  }
0xe8: {  	v9 =	vld [tilespmem:s13+$0x2400];
	_ =	sdelay $0x1  }
0xe9: {  	v10 =	vld [tilespmem:s13+$0x4400];
	_ =	sdelay $0x1  }
0xea: {  	v11 =	vld [tilespmem:s13+$0x6400]  }
0xeb: {  	v8 =	vmul.f32 v8, v5;
	v9 =	vmul.f32 v9, v6;
	_ =	sdelay $0x1  }
0xec: {  	v8 =	vadd.f32 v9, v8;
	v9 =	vmul.f32 v10, v4;
	_ =	sdelay $0x1  }
0xed: {  	v10 =	vmul.f32 v11, v7;
	v8 =	vadd.f32 v9, v8;
	_ =	sdelay $0x1  }
0xee: {  	v8 =	vadd.f32 v10, v8  }
0xef: {  	s22 =	sor.u32 $0x400, s13  }
0xf0: {  	[tilespmem:v3+s22+$0x0 ss:$0x1] =	vst.idx.msk $0xffff, v8  }
0xf1: {  	v8 =	vld [tilespmem:s13+$0x2410]  }
0xf2: {  	v9 =	vld [tilespmem:s13+$0x410];
	_ =	sdelay $0x1  }
0xf3: {  	v10 =	vld [tilespmem:s13+$0x4410];
	_ =	sdelay $0x1  }
0xf4: {  	v11 =	vld [tilespmem:s13+$0x6410]  }
0xf5: {  	v8 =	vmul.f32 v8, v6;
	v9 =	vmul.f32 v9, v5;
	_ =	sdelay $0x1  }
0xf6: {  	v10 =	vmul.f32 v10, v4;
	v8 =	vadd.f32 v8, v9;
	_ =	sdelay $0x1  }
0xf7: {  	v9 =	vmul.f32 v11, v7;
	v8 =	vadd.f32 v10, v8;
	_ =	sdelay $0x1  }
0xf8: {  	v8 =	vadd.f32 v9, v8  }
0xf9: {  	s18 =	sor.u32 $0x410, s13  }
0xfa: {  	[tilespmem:v3+s18+$0x0 ss:$0x1] =	vst.idx.msk $0xffff, v8  }
0xfb: {  	v8 =	vld [tilespmem:s13+$0x420]  }
0xfc: {  	v9 =	vld [tilespmem:s13+$0x2420];
	_ =	sdelay $0x1  }
0xfd: {  	v10 =	vld [tilespmem:s13+$0x4420];
	_ =	sdelay $0x1  }
0xfe: {  	v11 =	vld [tilespmem:s13+$0x6420]  }
0xff: {  	v8 =	vmul.f32 v8, v5;
	v9 =	vmul.f32 v9, v6;
	_ =	sdelay $0x1  }
0x100: {  	v8 =	vadd.f32 v9, v8;
	v9 =	vmul.f32 v10, v4;
	_ =	sdelay $0x1  }
0x101: {  	v8 =	vadd.f32 v9, v8;
	v9 =	vmul.f32 v11, v7;
	_ =	sdelay $0x1  }
0x102: {  	v8 =	vadd.f32 v9, v8  }
0x103: {  	s20 =	sor.u32 $0x420, s13  }
0x104: {  	[tilespmem:v3+s20+$0x0 ss:$0x1] =	vst.idx.msk $0xffff, v8  }
0x105: {  	v8 =	vld [tilespmem:s13+$0x430]  }
0x106: {  	v9 =	vld [tilespmem:s13+$0x2430];
	_ =	sdelay $0x1  }
0x107: {  	v10 =	vld [tilespmem:s13+$0x4430];
	_ =	sdelay $0x1  }
0x108: {  	v11 =	vld [tilespmem:s13+$0x6430]  }
0x109: {  	v8 =	vmul.f32 v8, v5;
	v9 =	vmul.f32 v9, v6;
	_ =	sdelay $0x1  }
0x10a: {  	v8 =	vadd.f32 v9, v8;
	v9 =	vmul.f32 v10, v4;
	_ =	sdelay $0x1  }
0x10b: {  	v10 =	vmul.f32 v11, v7;
	v8 =	vadd.f32 v9, v8;
	_ =	sdelay $0x1  }
0x10c: {  	v8 =	vadd.f32 v10, v8  }
0x10d: {  	s21 =	sor.u32 $0x430, s13  }
0x10e: {  	[tilespmem:v3+s21+$0x0 ss:$0x1] =	vst.idx.msk $0xffff, v8  }
0x10f: {  	v8 =	vld [tilespmem:s13+$0x2440]  }
0x110: {  	v9 =	vld [tilespmem:s13+$0x440];
	_ =	sdelay $0x1  }
0x111: {  	v10 =	vld [tilespmem:s13+$0x4440];
	_ =	sdelay $0x1  }
0x112: {  	v11 =	vld [tilespmem:s13+$0x6440]  }
0x113: {  	v8 =	vmul.f32 v8, v6;
	v9 =	vmul.f32 v9, v5;
	_ =	sdelay $0x1  }
0x114: {  	v10 =	vmul.f32 v10, v4;
	v8 =	vadd.f32 v8, v9;
	_ =	sdelay $0x1  }
0x115: {  	v9 =	vmul.f32 v11, v7;
	v8 =	vadd.f32 v10, v8;
	_ =	sdelay $0x1  }
0x116: {  	v8 =	vadd.f32 v9, v8  }
0x117: {  	s22 =	sor.u32 $0x440, s13  }
0x118: {  	[tilespmem:v3+s22+$0x0 ss:$0x1] =	vst.idx.msk $0xffff, v8  }
0x119: {  	v8 =	vld [tilespmem:s13+$0x450]  }
0x11a: {  	v9 =	vld [tilespmem:s13+$0x2450];
	_ =	sdelay $0x1  }
0x11b: {  	v10 =	vld [tilespmem:s13+$0x4450];
	_ =	sdelay $0x1  }
0x11c: {  	v11 =	vld [tilespmem:s13+$0x6450]  }
0x11d: {  	v8 =	vmul.f32 v8, v5;
	v9 =	vmul.f32 v9, v6  }
0x11e: {  	p1 =	por !p1, p0;
	s17 =	sadd.s32 @!p2 $0x1, s8  }
0x11f: {  	s19 =	smov.u32 s8;
	s8 =	smov.u32 @p1 s17;
	s17 =	simm.s32 $0x0;
	v10 =	vmul.f32 v10, v4;
	v9 =	vadd.f32 v9, v8  }
0x120: {  	s17 =	simm.s32 @p1 $0x1;
	s8 =	smov.u32 @p0 s19;
	s19 =	simm.s32 $0x1  }
0x121: {  	s17 =	simm.s32 @p0 $0x0;
	s18 =	sadd.s32 s7, s30;
	s20 =	simm.s32 $0x0;
	v8 =	vmul.f32 v11, v7;
	v9 =	vadd.f32 v10, v9  }
.LBB2_3:
0x122: {  	p1 =	sne.s32 s19, $0x1F;
	s31 =	sadd.s32 $0x80, s31;
	s20 =	sadd.s32 $0x100, s20  }
0x123: {  	s21 =	smov.u32 s19;
	s19 =	sadd.s32 $0x1, s19;
	v8 =	vadd.f32 v8, v9  }
0x124: {  	s22 =	sor.u32 $0x450, s13  }
0x125: {  	[tilespmem:v3+s22+$0x0 ss:$0x1] =	vst.idx.msk $0xffff, v8  }
0x126: {  	v8 =	vld [tilespmem:s13+$0x460]  }
0x127: {  	v9 =	vld [tilespmem:s13+$0x2460]  }
0x128: {  	v10 =	vld [tilespmem:s13+$0x4460]  }
0x129: {  	v11 =	vld [tilespmem:s13+$0x6460];
	_ =	sdelay $0x1  }
0x12a: {  	v8 =	vmul.f32 v8, v5  }
0x12b: {  	v9 =	vmul.f32 v9, v6  }
0x12c: {  	v10 =	vmul.f32 v10, v4  }
0x12d: {  	v8 =	vadd.f32 v9, v8;
	v9 =	vmul.f32 v11, v7  }
0x12e: {  	v11 =	vmov s21  }
0x12f: {  	v12 =	vor.u32 $0x20, v11;
	v13 =	vor.u32 $0x40, v11;
	v8 =	vadd.f32 v10, v8;
	_ =	sdelay $0x1  }
0x130: {  	s22 =	sand.u32 $0x380, s31;
	s21 =	sand.u32 $0x1800, s20;
	v8 =	vadd.f32 v9, v8  }
0x131: {  	s21 =	sor.u32 s22, s21;
	s22 =	sor.u32 $0x460, s13  }
0x132: {  	[tilespmem:v3+s22+$0x0 ss:$0x1] =	vst.idx.msk $0xffff, v8  }
0x133: {  	v8 =	vld [tilespmem:s13+$0x470]  }
0x134: {  	v9 =	vld [tilespmem:s13+$0x2470]  }
0x135: {  	v10 =	vld [tilespmem:s13+$0x4470]  }
0x136: {  	v14 =	vld [tilespmem:s13+$0x6470];
	_ =	sdelay $0x1  }
0x137: {  	v5 =	vmul.f32 v8, v5  }
0x138: {  	v6 =	vmul.f32 v9, v6  }
0x139: {  	v8 =	vor.u32 $0x60, v11  }
0x13a: {  	v4 =	vmul.f32 v10, v4;
	v5 =	vadd.f32 v6, v5;
	v6 =	vmul.f32 v14, v7;
	_ =	sdelay $0x1  }
0x13b: {  	v4 =	vadd.f32 v4, v5;
	_ =	sdelay $0x1  }
0x13c: {  	v4 =	vadd.f32 v6, v4  }
0x13d: {  	s22 =	sor.u32 $0x470, s13;
	s13 =	smov.u32 s21  }
0x13e: {  	[tilespmem:v3+s22+$0x0 ss:$0x1] =	vst.idx.msk $0xffff, v4  }
0x13f: {  	v9 =	vld [tilespmem:s13+$0x2000]  }
0x140: {  	v5 =	vld.idx.msk [tilespmem:v11+s16+$0x0], $0xffff  }
0x141: {  	v10 =	vld [tilespmem:s13+$0x0]  }
0x142: {  	v6 =	vld.idx.msk [tilespmem:v12+s16+$0x0], $0xffff  }
0x143: {  	v4 =	vld.idx.msk [tilespmem:v13+s16+$0x0], $0xffff  }
0x144: {  	v11 =	vld [tilespmem:s13+$0x4000]  }
0x145: {  	v7 =	vld.idx.msk [tilespmem:v8+s16+$0x0], $0xffff  }
0x146: {  	v8 =	vld [tilespmem:s13+$0x6000];
	_ =	sdelay $0x1  }
0x147: {  	v10 =	vmul.f32 v10, v5;
	v9 =	vmul.f32 v9, v6  }
0x148: {  	v11 =	vmul.f32 v11, v4  }
0x149: {  	v9 =	vadd.f32 v9, v10  }
0x14a: {  	v8 =	vmul.f32 v8, v7  }
0x14b: {  	v9 =	vadd.f32 v11, v9;
	_ =	sdelay $0x1  }
0x14c: {  	v8 =	vadd.f32 v8, v9;
	_ =	sdelay $0x1  }
0x14d: {  	[tilespmem:v3+s13+$0x0 ss:$0x1] =	vst.idx.msk $0xffff, v8  }
0x14e: {  	v8 =	vld [tilespmem:s13+$0x10]  }
0x14f: {  	v9 =	vld [tilespmem:s13+$0x2010];
	_ =	sdelay $0x1  }
0x150: {  	v10 =	vld [tilespmem:s13+$0x4010];
	_ =	sdelay $0x1  }
0x151: {  	v11 =	vld [tilespmem:s13+$0x6010]  }
0x152: {  	v8 =	vmul.f32 v8, v5;
	v9 =	vmul.f32 v9, v6;
	_ =	sdelay $0x1  }
0x153: {  	v8 =	vadd.f32 v9, v8;
	v9 =	vmul.f32 v10, v4;
	_ =	sdelay $0x1  }
0x154: {  	v8 =	vadd.f32 v9, v8;
	v9 =	vmul.f32 v11, v7;
	_ =	sdelay $0x1  }
0x155: {  	v8 =	vadd.f32 v9, v8  }
0x156: {  	s21 =	sor.u32 $0x10, s13  }
0x157: {  	[tilespmem:v3+s21+$0x0 ss:$0x1] =	vst.idx.msk $0xffff, v8  }
0x158: {  	v8 =	vld [tilespmem:s13+$0x20]  }
0x159: {  	v9 =	vld [tilespmem:s13+$0x2020];
	_ =	sdelay $0x1  }
0x15a: {  	v10 =	vld [tilespmem:s13+$0x4020];
	_ =	sdelay $0x1  }
0x15b: {  	v8 =	vmul.f32 v8, v5;
	v11 =	vld [tilespmem:s13+$0x6020]  }
0x15c: {  	v9 =	vmul.f32 v9, v6;
	_ =	sdelay $0x1  }
0x15d: {  	v8 =	vadd.f32 v9, v8;
	v9 =	vmul.f32 v10, v4;
	_ =	sdelay $0x1  }
0x15e: {  	v8 =	vadd.f32 v9, v8;
	v9 =	vmul.f32 v11, v7;
	_ =	sdelay $0x1  }
0x15f: {  	v8 =	vadd.f32 v9, v8  }
0x160: {  	s21 =	sor.u32 $0x20, s13  }
0x161: {  	[tilespmem:v3+s21+$0x0 ss:$0x1] =	vst.idx.msk $0xffff, v8  }
0x162: {  	v8 =	vld [tilespmem:s13+$0x30]  }
0x163: {  	v9 =	vld [tilespmem:s13+$0x2030]  }
0x164: {  	v10 =	vld [tilespmem:s13+$0x6030]  }
0x165: {  	v11 =	vld [tilespmem:s13+$0x4030];
	_ =	sdelay $0x1  }
0x166: {  	v8 =	vmul.f32 v8, v5  }
0x167: {  	v9 =	vmul.f32 v9, v6  }
0x168: {  	v10 =	vmul.f32 v10, v7  }
0x169: {  	v8 =	vadd.f32 v9, v8;
	v9 =	vmul.f32 v11, v4;
	_ =	sdelay $0x1  }
0x16a: {  	v8 =	vadd.f32 v9, v8;
	_ =	sdelay $0x1  }
0x16b: {  	v8 =	vadd.f32 v10, v8  }
0x16c: {  	s21 =	sor.u32 $0x30, s13  }
0x16d: {  	[tilespmem:v3+s21+$0x0 ss:$0x1] =	vst.idx.msk $0xffff, v8  }
0x16e: {  	v8 =	vld [tilespmem:s13+$0x40]  }
0x16f: {  	v9 =	vld [tilespmem:s13+$0x2040]  }
0x170: {  	v10 =	vld [tilespmem:s13+$0x4040]  }
0x171: {  	v11 =	vld [tilespmem:s13+$0x6040];
	_ =	sdelay $0x1  }
0x172: {  	v8 =	vmul.f32 v8, v5  }
0x173: {  	v9 =	vmul.f32 v9, v6  }
0x174: {  	v10 =	vmul.f32 v10, v4  }
0x175: {  	v8 =	vadd.f32 v9, v8;
	v9 =	vmul.f32 v11, v7;
	_ =	sdelay $0x1  }
0x176: {  	v8 =	vadd.f32 v10, v8;
	_ =	sdelay $0x1  }
0x177: {  	v8 =	vadd.f32 v9, v8  }
0x178: {  	s21 =	sor.u32 $0x40, s13  }
0x179: {  	[tilespmem:v3+s21+$0x0 ss:$0x1] =	vst.idx.msk $0xffff, v8  }
0x17a: {  	v8 =	vld [tilespmem:s13+$0x2050]  }
0x17b: {  	v9 =	vld [tilespmem:s13+$0x50]  }
0x17c: {  	v10 =	vld [tilespmem:s13+$0x4050]  }
0x17d: {  	v11 =	vld [tilespmem:s13+$0x6050];
	_ =	sdelay $0x1  }
0x17e: {  	v8 =	vmul.f32 v8, v6  }
0x17f: {  	v9 =	vmul.f32 v9, v5  }
0x180: {  	v10 =	vmul.f32 v10, v4  }
0x181: {  	v8 =	vadd.f32 v8, v9;
	v9 =	vmul.f32 v11, v7;
	_ =	sdelay $0x1  }
0x182: {  	v8 =	vadd.f32 v10, v8;
	_ =	sdelay $0x1  }
0x183: {  	v8 =	vadd.f32 v9, v8  }
0x184: {  	s21 =	sor.u32 $0x50, s13  }
0x185: {  	[tilespmem:v3+s21+$0x0 ss:$0x1] =	vst.idx.msk $0xffff, v8  }
0x186: {  	v8 =	vld [tilespmem:s13+$0x60]  }
0x187: {  	v9 =	vld [tilespmem:s13+$0x2060]  }
0x188: {  	v10 =	vld [tilespmem:s13+$0x6060]  }
0x189: {  	v11 =	vld [tilespmem:s13+$0x4060];
	_ =	sdelay $0x2  }
0x18a: {  	v8 =	vmul.f32 v8, v5;
	v9 =	vmul.f32 v9, v6  }
0x18b: {  	v10 =	vmul.f32 v10, v7  }
0x18c: {  	v8 =	vadd.f32 v9, v8;
	v9 =	vmul.f32 v11, v4;
	_ =	sdelay $0x1  }
0x18d: {  	v8 =	vadd.f32 v9, v8;
	_ =	sdelay $0x1  }
0x18e: {  	v8 =	vadd.f32 v10, v8  }
0x18f: {  	s21 =	sor.u32 $0x60, s13  }
0x190: {  	[tilespmem:v3+s21+$0x0 ss:$0x1] =	vst.idx.msk $0xffff, v8  }
0x191: {  	v8 =	vld [tilespmem:s13+$0x70]  }
0x192: {  	v9 =	vld [tilespmem:s13+$0x2070]  }
0x193: {  	v10 =	vld [tilespmem:s13+$0x4070]  }
0x194: {  	v11 =	vld [tilespmem:s13+$0x6070];
	_ =	sdelay $0x1  }
0x195: {  	v8 =	vmul.f32 v8, v5  }
0x196: {  	v9 =	vmul.f32 v9, v6  }
0x197: {  	v10 =	vmul.f32 v10, v4  }
0x198: {  	v8 =	vadd.f32 v9, v8;
	v9 =	vmul.f32 v11, v7;
	_ =	sdelay $0x1  }
0x199: {  	v8 =	vadd.f32 v10, v8;
	_ =	sdelay $0x1  }
0x19a: {  	v8 =	vadd.f32 v9, v8  }
0x19b: {  	s21 =	sor.u32 $0x70, s13  }
0x19c: {  	[tilespmem:v3+s21+$0x0 ss:$0x1] =	vst.idx.msk $0xffff, v8  }
0x19d: {  	v8 =	vld [tilespmem:s13+$0x400]  }
0x19e: {  	v9 =	vld [tilespmem:s13+$0x2400]  }
0x19f: {  	v10 =	vld [tilespmem:s13+$0x6400]  }
0x1a0: {  	v11 =	vld [tilespmem:s13+$0x4400];
	_ =	sdelay $0x1  }
0x1a1: {  	v8 =	vmul.f32 v8, v5  }
0x1a2: {  	v9 =	vmul.f32 v9, v6  }
0x1a3: {  	v10 =	vmul.f32 v10, v7  }
0x1a4: {  	v8 =	vadd.f32 v9, v8;
	v9 =	vmul.f32 v11, v4;
	_ =	sdelay $0x1  }
0x1a5: {  	v8 =	vadd.f32 v9, v8;
	_ =	sdelay $0x1  }
0x1a6: {  	v8 =	vadd.f32 v10, v8  }
0x1a7: {  	s21 =	sor.u32 $0x400, s13  }
0x1a8: {  	[tilespmem:v3+s21+$0x0 ss:$0x1] =	vst.idx.msk $0xffff, v8  }
0x1a9: {  	v8 =	vld [tilespmem:s13+$0x2410]  }
0x1aa: {  	v9 =	vld [tilespmem:s13+$0x410]  }
0x1ab: {  	v10 =	vld [tilespmem:s13+$0x4410]  }
0x1ac: {  	v11 =	vld [tilespmem:s13+$0x6410];
	_ =	sdelay $0x1  }
0x1ad: {  	v8 =	vmul.f32 v8, v6  }
0x1ae: {  	v9 =	vmul.f32 v9, v5  }
0x1af: {  	v10 =	vmul.f32 v10, v4  }
0x1b0: {  	v8 =	vadd.f32 v8, v9;
	v9 =	vmul.f32 v11, v7;
	_ =	sdelay $0x1  }
0x1b1: {  	v8 =	vadd.f32 v10, v8;
	_ =	sdelay $0x1  }
0x1b2: {  	v8 =	vadd.f32 v9, v8  }
0x1b3: {  	s21 =	sor.u32 $0x410, s13  }
0x1b4: {  	[tilespmem:v3+s21+$0x0 ss:$0x1] =	vst.idx.msk $0xffff, v8  }
0x1b5: {  	v8 =	vld [tilespmem:s13+$0x420]  }
0x1b6: {  	v9 =	vld [tilespmem:s13+$0x2420]  }
0x1b7: {  	v10 =	vld [tilespmem:s13+$0x4420]  }
0x1b8: {  	v11 =	vld [tilespmem:s13+$0x6420];
	_ =	sdelay $0x2  }
0x1b9: {  	v8 =	vmul.f32 v8, v5;
	v9 =	vmul.f32 v9, v6;
	_ =	sdelay $0x1  }
0x1ba: {  	v8 =	vadd.f32 v9, v8;
	v9 =	vmul.f32 v10, v4;
	_ =	sdelay $0x1  }
0x1bb: {  	v8 =	vadd.f32 v9, v8;
	v9 =	vmul.f32 v11, v7;
	_ =	sdelay $0x1  }
0x1bc: {  	v8 =	vadd.f32 v9, v8  }
0x1bd: {  	s21 =	sor.u32 $0x420, s13  }
0x1be: {  	[tilespmem:v3+s21+$0x0 ss:$0x1] =	vst.idx.msk $0xffff, v8  }
0x1bf: {  	v8 =	vld [tilespmem:s13+$0x430]  }
0x1c0: {  	v9 =	vld [tilespmem:s13+$0x2430]  }
0x1c1: {  	v10 =	vld [tilespmem:s13+$0x6430]  }
0x1c2: {  	v11 =	vld [tilespmem:s13+$0x4430];
	_ =	sdelay $0x1  }
0x1c3: {  	v8 =	vmul.f32 v8, v5  }
0x1c4: {  	v9 =	vmul.f32 v9, v6  }
0x1c5: {  	v10 =	vmul.f32 v10, v7  }
0x1c6: {  	v8 =	vadd.f32 v9, v8;
	v9 =	vmul.f32 v11, v4;
	_ =	sdelay $0x1  }
0x1c7: {  	v8 =	vadd.f32 v9, v8;
	_ =	sdelay $0x1  }
0x1c8: {  	v8 =	vadd.f32 v10, v8  }
0x1c9: {  	s21 =	sor.u32 $0x430, s13  }
0x1ca: {  	[tilespmem:v3+s21+$0x0 ss:$0x1] =	vst.idx.msk $0xffff, v8  }
0x1cb: {  	v8 =	vld [tilespmem:s13+$0x2440]  }
0x1cc: {  	v9 =	vld [tilespmem:s13+$0x440]  }
0x1cd: {  	v10 =	vld [tilespmem:s13+$0x4440]  }
0x1ce: {  	v11 =	vld [tilespmem:s13+$0x6440];
	_ =	sdelay $0x1  }
0x1cf: {  	v8 =	vmul.f32 v8, v6  }
0x1d0: {  	v9 =	vmul.f32 v9, v5  }
0x1d1: {  	v10 =	vmul.f32 v10, v4  }
0x1d2: {  	v8 =	vadd.f32 v8, v9;
	v9 =	vmul.f32 v11, v7;
	_ =	sdelay $0x1  }
0x1d3: {  	v8 =	vadd.f32 v10, v8;
	_ =	sdelay $0x1  }
0x1d4: {  	v8 =	vadd.f32 v9, v8  }
0x1d5: {  	s21 =	sor.u32 $0x440, s13  }
0x1d6: {  	[tilespmem:v3+s21+$0x0 ss:$0x1] =	vst.idx.msk $0xffff, v8  }
0x1d7: {  	v8 =	vld [tilespmem:s13+$0x450]  }
0x1d8: {  	v9 =	vld [tilespmem:s13+$0x2450]  }
0x1d9: {  	v10 =	vld [tilespmem:s13+$0x4450]  }
0x1da: {  	v11 =	vld [tilespmem:s13+$0x6450];
	_ =	sdelay $0x1  }
0x1db: {  	v8 =	vmul.f32 v8, v5  }
.Ltmp0:
0x1dc: {  	v9 =	vmul.f32 v9, v6;
	(pc) =	sbr.rel @p1 .LBB2_3-.Ltmp0, $3  }
0x1dd: {  	v10 =	vmul.f32 v10, v4  }
0x1de: {  	v9 =	vadd.f32 v9, v8;
	v8 =	vmul.f32 v11, v7;
	_ =	sdelay $0x1  }
0x1df: {  	v9 =	vadd.f32 v10, v9  }
0x1e0: {  	_ =	sdelay $0x1  }
0x1e1: {  	v8 =	vadd.f32 v8, v9  }
0x1e2: {  	s16 =	sor.u32 $0x450, s13  }
0x1e3: {  	[tilespmem:v3+s16+$0x0 ss:$0x1] =	vst.idx.msk $0xffff, v8  }
0x1e4: {  	v8 =	vld [tilespmem:s13+$0x460]  }
0x1e5: {  	v55 =	vld [tilespmem:s13+$0x2460];
	_ =	sdelay $0x1  }
0x1e6: {  	v10 =	vld [tilespmem:s13+$0x4460];
	_ =	sdelay $0x1  }
0x1e7: {  	v11 =	vld [tilespmem:s13+$0x6460]  }
0x1e8: {  	v8 =	vmul.f32 v8, v5;
	v9 =	vmul.f32 v55, v6;
	_ =	sdelay $0x1  }
0x1e9: {  	v10 =	vmul.f32 v10, v4;
	v8 =	vadd.f32 v9, v8;
	_ =	sdelay $0x1  }
0x1ea: {  	v56 =	vmul.f32 v11, v7;
	v8 =	vadd.f32 v10, v8;
	_ =	sdelay $0x1  }
0x1eb: {  	v8 =	vadd.f32 v56, v8  }
0x1ec: {  	s22 =	sor.u32 $0x460, s13  }
0x1ed: {  	[tilespmem:v3+s22+$0x0 ss:$0x1] =	vst.idx.msk $0xffff, v8  }
0x1ee: {  	v8 =	vld [tilespmem:s13+$0x470]  }
0x1ef: {  	v57 =	vld [tilespmem:s13+$0x2470];
	_ =	sdelay $0x1  }
0x1f0: {  	v58 =	vld [tilespmem:s13+$0x4470];
	_ =	sdelay $0x1  }
0x1f1: {  	v59 =	vld [tilespmem:s13+$0x6470]  }
0x1f2: {  	v60 =	vmul.f32 v8, v5;
	v61 =	vmul.f32 v57, v6;
	_ =	sdelay $0x1  }
0x1f3: {  	v62 =	vmul.f32 v58, v4;
	v5 =	vadd.f32 v61, v60;
	_ =	sdelay $0x1  }
0x1f4: {  	v63 =	vmul.f32 v59, v7;
	v4 =	vadd.f32 v62, v5;
	_ =	sdelay $0x1  }
0x1f5: {  	p1 =	sne.s32 s30, s10;
	v4 =	vadd.f32 v63, v4  }
0x1f6: {  	s31 =	sor.u32 $0x470, s13;
	p0 =	por p0, p1  }
0x1f7: {  	p1 =	seq.s32 s9, $0x0;
	s13 =	sshll.u32 @p0 s18, $0xA;
	[tilespmem:v3+s31+$0x0 ss:$0x1] =	vst.idx.msk $0xffff, v4  }
0x1f8: {  	s14 =	sor.u32 @p0 $0x6, s14;
	s13 =	sand.u32 @p0 $0x1FFFFC00, s13;
	_ =	strace $0x90000050  }
0x1f9: {  	s16 =	simm.s32 @p0 $0x0;
	s13 =	sadd.s32 @p0 s6, s13;
	_ =	strace @p0 $0x80000051  }
0x1fa: {  	[hbm4b:s13+s16] =	stream.linear.scatter @p0 [tilespmem:s15], [sflag:s14], $0x2000, $0x200038;
	[tilespmem:$0xC200] =	vst v63  }
0x1fb: {  	s13 =	sand.u32 @!p1 $0x1, s0;
	_ =	strace @p0 $0x90000051  }
0x1fc: {  	s13 =	sor.u32 @!p1 $0x6, s13;
	_ =	strace @!p1 $0x80000052  }
0x1fd: {  	s14 =	simm.s32 $0x1;
	_ =	swait.ge @!p1 [sflag:s13], $0x2000  }
0x1fe: {  	s14 =	simm.s32 @!p0 $0x0;
	p0 =	sne.s32 s9, $0x0;
	[sflag:s13] =	ssyncset.done @!p1 $0x0  }
0x1ff: {  	s9 =	sadd.s32 $0x1, s9;
	[sflag:s13] =	ssyncadd.s32 @!p1 $0xFFFFE000;
	s13 =	simm.s32 $0x1  }
0x200: {  	s13 =	simm.s32 @!p0 $0x0;
	p0 =	sne.s32 s9, $0x31  }
.Ltmp1:
0x201: {  	_ = 	snop;
	(pc) =	sbr.rel @p0 .LBB2_2-.Ltmp1, $4  }
0x202: {  	_ = 	snop  }
0x203: {  	s12 =	sadd.s32 s12, s17  }
0x204: {  	s30 =	smov.u32 s10;
	s1 =	sadd.s32 s14, s1;
	s3 =	sadd.s32 s14, s3  }
0x205: {  	s11 =	sadd.s32 s14, s11;
	_ =	strace @!p1 $0x90000052;
	s0 =	sadd.s32 s13, s0  }
0x206: {  	_ =	strace $0x80000053;
	s0 =	simm.s32 $0x6  }
0x207: {  	_ =	swait.ge [sflag:s0], $0x2000  }
0x208: {  	s1 =	rddreg [dreg:$0x6]  }
0x209: {  	s31 =	rddreg [dreg:$0x5];
	s1 =	sadd.s32 $0x1, s1  }
0x20a: {  	p0 =	sne.s32 s1, s31  }
.Ltmp2:
0x20b: {  	_ = 	snop;
	(pc) =	sbr.rel @p0 .LBB2_1-.Ltmp2, $4  }
0x20c: {  	_ = 	snop  }
0x20d: {  	[sflag:s0] =	ssyncset.done $0x0  }
0x20e: {  	[sflag:s0] =	ssyncadd.s32 $0xFFFFE000  }
0x20f: {  	_ =	strace $0x90000053  }
0x210: {  	_ =	sfence.sel $0x180000  }
0x211: {  	[bflag:$0x0] =	sbarrier.arrive $0xFFFF  }
0x212: {  	_ =	strace $0x9000004A  }
0x213: {  	s0 =	stileid.u32;
	[bflag:$0x2] =	sbarrier.arrive $0xFFFF  }
0x214: {  	p0 =	sne.s32 s0, $0x0;
	s0 =	rddreg [dreg:$0x2]  }
0x215: {  	s0 =	sadd.s32 @!p0 $0x100000, s0  }
0x216: {  	[sflag:s0] =	ssyncadd.tile.s32 @!p0 $0x1;
	_ =	shalt  }
.Lfunc_end2:
_tile_overlayer_lowered:
.L_overlay_start_2:
0x217: {  	(tag) =	ssettag $0x2  }
0x218: {  	s0 =	rddreg [dreg:$0x0];
	s2 =	stileid.u32  }
0x219: {  	s1 =	rddreg [dreg:$0x1];
	p0 =	sne.s32 s2, $0x0  }
0x21a: {  	s3 =	rddreg [dreg:$0x2];
	[bflag:$0x3] =	sbarrier.arrive $0xFFFF;
	s2 =	simm.s32 @!p0 $0x1C02  }
0x21b: {  	[timem:s3], [sflag:s2] =	dma.local @!p0 [hbm:s0], s1  }
0x21c: {  	s0 =	simm.s32 @!p0 $0x2  }
0x21d: {  	_ =	swait.ge @!p0 [sflag:s0], s1  }
0x21e: {  	s1 =	ssub.s32 @!p0 $0x0, s1;
	[sflag:s0] =	ssyncset.done @!p0 $0x0  }
0x21f: {  	[sflag:s0] =	ssyncadd.s32 @!p0 s1  }
0x220: {  	[bflag:$0x3] =	sbarrier.arrive $0xFFFF  }
0x221: {  	_ =	shalt  }

// kernel: sparse-core-data-format-call.cloned.1.call-start
scs
called_computation_lowered:
.L_overlay_start_0:
0x0: {  	s2 =	sld [smem:$0x3FD9]  }
0x1: {  	s3 =	sld [smem:$0x3FFE];
	_ =	sdelay $0x1  }
0x2: {  	s1 =	srdreg.scid  }
0x3: {  	s0 =	sand.u32 $0x1, s1  }
0x4: {  	s19 =	sshll.u32 s0, $0xA;
	s2 =	sadd.s32 s3, s2  }
0x5: {  	s2 =	sadd.s32 s2, s19  }
0x6: {  	[smem:$0x3FC6] =	sst s2  }
0x7: {  	_ = 	snop  }
0x8: {  	s2 =	sld [smem:$0x3FC9]  }
0x9: {  	s20 =	sld [smem:$0x3FD0];
	(tm) =	ssettm $0x1  }
0xa: {  	s4 =	sld [smem:$0x3FFB];
	_ =	sdelay $0x3  }
0xb: {  	_ =	strace s4  }
0xc: {  	s4 =	sld [smem:$0x3FFC];
	_ =	sdelay $0x3  }
0xd: {  	_ =	strace s4  }
0xe: {  	s4 =	sld [smem:$0x3FFD];
	_ =	sdelay $0x3  }
0xf: {  	_ =	strace s4  }
0x10: {  	_ =	strace $0x8FFFFFFF  }
0x11: {  	s21 =	sld [smem:$0x3FDB];
	_ =	sdelay $0x1  }
0x12: {  	s5 =	simm.s32 $_scs_section_size  }
0x13: {  	s6 =	simm.s32 $_size__tile_overlayer_lowered;
	s7 =	simm.s32 $_tile_overlayer_lowered  }
0x14: {  	s24 =	simm.s32 $0x1BFF;
	s23 =	sshll.u32 s7, $0x1;
	s4 =	sadd.s32 s5, s21  }
0x15: {  	s8 =	simm.s32 $0x0;
	s22 =	sshll.u32 s6, $0x1;
	s6 =	sadd.s32 s23, s4  }
0x16: {  	[timem:s8], [sflag:s24] =	dma.local [hbm:s6], s22  }
0x17: {  	_ =	swait.ge [sflag:s24], s22  }
0x18: {  	s5 =	ssub.s32 $0x0, s22;
	[sflag:s24] =	ssyncset.done $0x0  }
0x19: {  	[sflag:s24] =	ssyncadd.s32 s5;
	_ =	sdelay $0x1  }
0x1a: {  	s25 =	simm.s32 $0x1B8B  }
0x1b: {  	_ =	swait.ge [sflag:s25], $0x1  }
0x1c: {  	[sflag:s25] =	ssyncset.done $0x0  }
0x1d: {  	s26 =	simm.s32 $0x1B8E;
	[sflag:s25] =	ssyncadd.s32 $0xFFFFFFFF  }
0x1e: {  	s27 =	simm.s32 $execute0_lowered;
	[smem:$0x3FD2] =	sst s26  }
0x1f: {  	s5 =	sshll.u32 s27, $0x1;
	_ =	strace $0x80000046;
	[dreg:$0x1] =	wrdreg $0xFFFFFFFF  }
0x20: {  	s28 =	simm.s32 $_size_execute0_lowered;
	s4 =	sadd.s32 s4, s5;
	[dreg:$0x0] =	wrdreg $0x0  }
0x21: {  	s5 =	sshll.u32 s28, $0x1;
	[dreg:$0x2] =	wrdreg s4  }
0x22: {  	[dreg:$0x3] =	wrdreg s5  }
0x23: {  	[dreg:$0x4] =	wrdreg $0xC0  }
0x24: {  	_ =	task [dreg:s8], $0x5FFFF  }
0x25: {  	[dreg:$0x1] =	wrdreg $0xFFFFFFFF  }
0x26: {  	[dreg:$0x0] =	wrdreg $0x60  }
0x27: {  	[dreg:$0x2] =	wrdreg s2  }
0x28: {  	[dreg:$0x3] =	wrdreg s20  }
0x29: {  	[dreg:$0x4] =	wrdreg $0x9  }
0x2a: {  	_ =	task.clear_ibuf [dreg:s8], $0x5FFFF;
	_ =	strace $0x90000046  }
0x2b: {  	s29 =	simm.s32 $0x9;
	_ =	strace $0x80000048  }
0x2c: {  	_ =	swait.ge [sflag:s29], $0x1  }
0x2d: {  	[sflag:s29] =	ssyncadd.s32 $0xFFFFFFFF  }
0x2e: {  	_ =	strace $0x90000048  }
0x2f: {  	_ =	sfence  }
0x30: {  	s30 =	sld [smem:$0x0];
	_ =	sdelay $0x2  }
0x31: {  	s31 =	sshll.u32 s1, $0xD;
	s1 =	sshrl.u32 s1, $0x2  }
0x32: {  	s3 =	sand.u32 $0x4000, s31;
	s1 =	sadd.s32 s1, s30  }
0x33: {  	s0 =	sor.u32 s3, s0;
	s1 =	sshll.u32 s1, $0x11  }
0x34: {  	s0 =	sor.u32 s1, s0  }
0x35: {  	s0 =	sadd.s32 $0x8F2B, s0  }
0x36: {  	[sflag:s0] =	ssyncadd.remote.s32 $0x1  }
0x37: {  	_ =	sfence.sel $0xFFFF  }
0x38: {  	[dreg:$0x0] =	wrdreg $0xFFFFFFFF;
	(pc) =	sbr.abs _section_cstart, $3  }
0x39: {  	[dreg:$0x1] =	wrdreg $0xFFFFFFFF  }
0x3a: {  	_ =	task.clear_ibuf [dreg:s8], $0x2FFFF;
	_ =	strace $0x9FFFFFFF  }
0x3b: {  	(tm) =	ssettm $0x7FFFFFFF  }
tec
execute0_lowered:
.L_overlay_start_1:
0x0: {  	(tag) =	ssettag $0x1  }
0x1: {  	s1 =	rddreg [dreg:$0x0]  }
0x2: {  	s0 =	stileid.u32;
	s4 =	rddreg [dreg:$0x1]  }
0x3: {  	s7 =	srdreg.scid;
	s10 =	simm.s32 $0x2;
	s16 =	simm.s32 $0x0  }
0x4: {  	p0 =	por $0x0, $0x0;
	s15 =	simm.s32 $0x0;
	s17 =	simm.s32 $0x0  }
0x5: {  	s14 =	simm.s32 $0x0;
	s3 =	sshll.u32 s0, $0x6;
	s2 =	sand.u32 $0x1, s0  }
0x6: {  	s7 =	sshll.u32 s7, $0x4;
	s3 =	sand.u32 $0x80, s3;
	s5 =	ssub.s32 $0x2, s2  }
0x7: {  	s7 =	sand.u32 $0x10, s7;
	s13 =	smov.u32 s2;
	s6 =	ssub.s32 $0x100, s3  }
0x8: {  	s8 =	sshrl.u32 s5, $0x1;
	s5 =	sand.u32 $0x1, s5;
	s9 =	sshrl.u32 s6, $0x7  }
0x9: {  	s6 =	sshrl.u32 s6, $0x8;
	s8 =	sadd.s32 s5, s8;
	s9 =	sand.u32 $0x1, s9  }
.Ltmp0:
0xa: {  	s5 =	rddreg [dreg:$0x2];
	s6 =	sadd.s32 s6, s9;
	(pc) =	sbr.rel .LBB1_1-.Ltmp0, $4  }
0xb: {  	_ =	strace $0x80000047;
	s8 =	smul.u32 s6, s8;
	s6 =	simm.s32 $0x1  }
0xc: {  	s31 =	sor.u32 s0, s7;
	s12 =	smov.u32 s3;
	[sflag:s6] =	ssyncpa.u1 $0x0  }
0xd: {  	s7 =	sshll.u32 s8, $0x4;
	s8 =	sshrl.u32 s31, $0x2;
	[sflag:s10] =	ssyncpa.u1 $0x0  }
0xe: {  	s10 =	simm.s32 $0x800;
	s9 =	sor.u32 $0x1, s7;
	s11 =	smov.u32 s8  }
.LBB1_4:
0xf: {  	v5 =	vld [tilespmem:s21+$0xFFFFFFD0];
	[tilespmem:s20+$0x2040 ss:$0x81] =	vst.msk $0xffff, v1  }
0x10: {  	v58 =	vld [tilespmem:s21+$0xFFFFFFE0];
	[tilespmem:s20+$0x2850 ss:$0x81] =	vst.msk $0xffff, v2  }
0x11: {  	s22 =	sshra.s32 s22, $0x2;
	v59 =	vld [tilespmem:s21+$0xFFFFFFF0];
	[tilespmem:s20+$0x3060 ss:$0x81] =	vst.msk $0xffff, v3  }
0x12: {  	v60 =	vld [tilespmem:s21+$0x0];
	[tilespmem:s20+$0x0 ss:$0x81] =	vst.msk $0xffff, v0;
	s19 =	sadd.s32 s22, s19  }
0x13: {  	v61 =	vld [tilespmem:s21+$0x10];
	[tilespmem:s19+$0x3870 ss:$0x81] =	vst.msk $0xffff, v4  }
0x14: {  	v62 =	vld [tilespmem:s21+$0x20];
	[tilespmem:s19+$0x810 ss:$0x81] =	vst.msk $0xffff, v5  }
0x15: {  	v63 =	vld [tilespmem:s21+$0xFFFFFFC0];
	[tilespmem:s19+$0x1020 ss:$0x81] =	vst.msk $0xffff, v58  }
0x16: {  	s17 =	sshll.u32 s17, $0x13;
	[tilespmem:s19+$0x1830 ss:$0x81] =	vst.msk $0xffff, v59  }
0x17: {  	s28 =	sand.u32 $0xF80, s15;
	s16 =	sshll.u32 s16, $0xC;
	s17 =	sadd.s32 s4, s17;
	[tilespmem:s19+$0x2040 ss:$0x81] =	vst.msk $0xffff, v60  }
0x18: {  	s29 =	sshrl.u32 s15, $0x3;
	s30 =	sand.u32 $0x7, s15;
	s17 =	sadd.s32 s28, s17;
	[tilespmem:s19+$0x2850 ss:$0x81] =	vst.msk $0xffff, v61  }
0x19: {  	s31 =	sand.u32 $0xF, s29;
	s15 =	sshll.u32 s30, $0x12;
	s16 =	sadd.s32 s16, s17;
	[tilespmem:s19+$0x3060 ss:$0x81] =	vst.msk $0xffff, v62  }
0x1a: {  	s15 =	sor.u32 $0x400, s15;
	s16 =	sadd.s32 s31, s16;
	[tilespmem:s19+$0x0 ss:$0x81] =	vst.msk $0xffff, v63  }
0x1b: {  	[hbm4b:s16+s15] =	stream.strided.scatter [tilespmem:s18], [sflag:$0x2], $0x4000, s10, s15, $0x20;
	[tilespmem:$0x10100] =	vst v63  }
.LBB1_5:
0x1c: {  	s18 =	sadd.s32 $0x8, s11  }
0x1d: {  	s15 =	sadd.s32 $0x100, s12;
	s19 =	smov.u32 s12;
	p2 =	sgt.s32 s18, $0x7F  }
0x1e: {  	s19 =	smov.u32 @p2 s15  }
0x1f: {  	s21 =	smov.u32 s13;
	s15 =	sadd.s32 $0x2, s13;
	p3 =	sgt.s32 s19, $0xFF  }
0x20: {  	s21 =	smov.u32 @p3 s15  }
0x21: {  	s18 =	smov.u32 @p2 s8;
	p2 =	sgt.s32 s21, $0x1  }
0x22: {  	p1 =	slt.u32 s14, $0x2;
	s21 =	smov.u32 @p2 s2;
	p2 =	sne.s32 s14, s9  }
.Ltmp1:
0x23: {  	s20 =	simm.s32 @!p1 $0x2;
	(pc) =	sbr.rel @!p2 .LBB1_6-.Ltmp1, $4  }
0x24: {  	s16 =	smov.u32 s11;
	s17 =	smov.u32 s13;
	_ =	swait.ge @!p1 [sflag:s20], $0x4000  }
0x25: {  	p0 =	por !p0, !p0;
	[sflag:s20] =	ssyncset.done @!p1 $0x0;
	s11 =	smov.u32 s18  }
0x26: {  	s19 =	smov.u32 @p3 s3;
	s15 =	smov.u32 s12;
	[sflag:s20] =	ssyncadd.s32 @!p1 $0xFFFFC000  }
0x27: {  	s12 =	smov.u32 s19;
	s14 =	sadd.s32 $0x1, s14;
	s13 =	smov.u32 s21  }
.LBB1_1:
0x28: {  	p1 =	sge.u32 s14, s7;
	s31 =	sadd.s32 $0xFFFFFFFF, s14  }
0x29: {  	s18 =	sxor.u32 @!p1 $0xFFFFFFFF, s14;
	s19 =	sshll.u32 @!p1 s13, $0x13;
	s20 =	sshll.u32 @!p1 s12, $0xB  }
0x2a: {  	s21 =	sshll.u32 @!p1 s11, $0x4;
	s18 =	sshll.u32 @!p1 s18, $0xE;
	s19 =	sadd.s32 @!p1 s1, s19  }
0x2b: {  	s21 =	sand.u32 @!p1 $0x7F0, s21;
	s18 =	sand.u32 @!p1 $0x4000, s18;
	s19 =	sadd.s32 @!p1 s20, s19  }
0x2c: {  	s20 =	simm.s32 @!p1 $0x80;
	s19 =	sadd.s32 @!p1 s21, s19;
	s21 =	simm.s32 @!p1 $0x4000  }
0x2d: {  	[tilespmem:s18], [sflag:$0x1] =	stream.strided.gather @!p1 [hbm4b:s19+s20], $0x4000, s21, s20, $0x38;
	[tilespmem:$0x10100] =	vst v63  }
0x2e: {  	p1 =	sge.u32 s31, s7  }
.Ltmp2:
0x2f: {  	_ = 	snop;
	(pc) =	sbr.rel @p1 .LBB1_5-.Ltmp2, $1  }
0x30: {  	_ =	sdelay $0x3  }
0x31: {  	s18 =	simm.s32 $0x1  }
0x32: {  	_ =	swait.ge [sflag:s6], $0x4000;
	s18 =	simm.s32 @!p0 $0x0  }
0x33: {  	[sflag:s6] =	ssyncset.done $0x0;
	s19 =	sshll.u32 s18, $0xE  }
0x34: {  	[sflag:s6] =	ssyncadd.s32 $0xFFFFC000;
	s21 =	sor.u32 $0x40, s19  }
0x35: {  	s18 =	smul.u32 $0x10200, s18;
	v0 =	vld [tilespmem:s21+$0x30]  }
0x36: {  	v3 =	vld [tilespmem:s21+$0xFFFFFFD0]  }
0x37: {  	s18 =	sshrl.u32 s18, $0x2;
	v4 =	vld [tilespmem:s21+$0xFFFFFFE0]  }
0x38: {  	v5 =	vld [tilespmem:s21+$0xFFFFFFF0];
	s19 =	sor.u32 $0x8000, s18  }
0x39: {  	s31 =	sand.u32 $0x1, s14;
	v1 =	vld [tilespmem:s21+$0x0];
	s20 =	sadd.s32 $0x0, s19  }
0x3a: {  	v2 =	vld [tilespmem:s21+$0x10];
	s18 =	smul.u32 $0x10200, s31;
	[tilespmem:s20+$0x3870 ss:$0x81] =	vst.msk $0xffff, v0  }
0x3b: {  	[tilespmem:s20+$0x810 ss:$0x81] =	vst.msk $0xffff, v3;
	v3 =	vld [tilespmem:s21+$0x20]  }
0x3c: {  	s18 =	sshrl.u32 s18, $0x2;
	v0 =	vld [tilespmem:s21+$0xFFFFFFC0];
	[tilespmem:s20+$0x1020 ss:$0x81] =	vst.msk $0xffff, v4;
	s21 =	sadd.s32 $0x80, s21  }
0x3d: {  	s22 =	simm.s32 $0x4;
	s23 =	simm.s32 $0x8;
	s18 =	sor.u32 $0x8000, s18;
	[tilespmem:s20+$0x1830 ss:$0x81] =	vst.msk $0xffff, v5;
	v4 =	vld [tilespmem:s21+$0x30]  }
.LBB1_3:
0x3e: {  	p1 =	sne.s32 s23, $0x1FC;
	v5 =	vld [tilespmem:s21+$0xFFFFFFD0];
	[tilespmem:s20+$0x2040 ss:$0x81] =	vst.msk $0xffff, v1  }
0x3f: {  	v6 =	vld [tilespmem:s21+$0xFFFFFFE0];
	[tilespmem:s20+$0x2850 ss:$0x81] =	vst.msk $0xffff, v2  }
0x40: {  	s24 =	sshra.s32 s22, $0x2;
	s22 =	smov.u32 s23;
	v7 =	vld [tilespmem:s21+$0xFFFFFFF0];
	[tilespmem:s20+$0x3060 ss:$0x81] =	vst.msk $0xffff, v3  }
.Ltmp3:
0x41: {  	v1 =	vld [tilespmem:s21+$0x0];
	[tilespmem:s20+$0x0 ss:$0x81] =	vst.msk $0xffff, v0;
	s20 =	sadd.s32 s24, s19;
	(pc) =	sbr.rel @p1 .LBB1_3-.Ltmp3, $4  }
0x42: {  	v2 =	vld [tilespmem:s21+$0x10];
	[tilespmem:s20+$0x3870 ss:$0x81] =	vst.msk $0xffff, v4  }
0x43: {  	[tilespmem:s20+$0x810 ss:$0x81] =	vst.msk $0xffff, v5;
	v3 =	vld [tilespmem:s21+$0x20]  }
0x44: {  	v0 =	vld [tilespmem:s21+$0xFFFFFFC0];
	[tilespmem:s20+$0x1020 ss:$0x81] =	vst.msk $0xffff, v6;
	s21 =	sadd.s32 $0x80, s21  }
0x45: {  	s23 =	sadd.s32 $0x4, s23;
	v4 =	vld [tilespmem:s21+$0x30];
	[tilespmem:s20+$0x1830 ss:$0x81] =	vst.msk $0xffff, v7  }
.Ltmp4:
0x46: {  	_ = 	snop;
	(pc) =	sbr.rel .LBB1_4-.Ltmp4, $1  }
0x47: {  	_ =	sdelay $0x3  }
.LBB1_6:
0x48: {  	_ =	sfence.sel $0x180000  }
0x49: {  	s1 =	simm.s32 $0x1;
	[bflag:$0x0] =	sbarrier.arrive $0xFFFF  }
0x4a: {  	s31 =	simm.s32 $0x2;
	[sflag:s1] =	ssyncpa.u1 $0x1  }
0x4b: {  	[sflag:s31] =	ssyncpa.u1 $0x1  }
0x4c: {  	p0 =	sne.s32 s0, $0x0;
	_ =	strace $0x90000047  }
0x4d: {  	s0 =	sadd.s32 @!p0 $0x100000, s5;
	[bflag:$0x2] =	sbarrier.arrive $0xFFFF  }
0x4e: {  	[sflag:s0] =	ssyncadd.tile.s32 @!p0 $0x1;
	_ =	shalt  }
.Lfunc_end1:
_tile_overlayer_lowered:
.L_overlay_start_2:
0x4f: {  	(tag) =	ssettag $0x2  }
0x50: {  	s0 =	rddreg [dreg:$0x0];
	s2 =	stileid.u32  }
0x51: {  	s1 =	rddreg [dreg:$0x1];
	p0 =	sne.s32 s2, $0x0  }
0x52: {  	s3 =	rddreg [dreg:$0x2];
	[bflag:$0x3] =	sbarrier.arrive $0xFFFF;
	s2 =	simm.s32 @!p0 $0x1C01  }
0x53: {  	[timem:s3], [sflag:s2] =	dma.local @!p0 [hbm:s0], s1  }
0x54: {  	s0 =	simm.s32 @!p0 $0x1  }
0x55: {  	_ =	swait.ge @!p0 [sflag:s0], s1  }
0x56: {  	s1 =	ssub.s32 @!p0 $0x0, s1;
	[sflag:s0] =	ssyncset.done @!p0 $0x0  }
0x57: {  	[sflag:s0] =	ssyncadd.s32 @!p0 s1  }
0x58: {  	[bflag:$0x3] =	sbarrier.arrive $0xFFFF  }
0x59: {  	_ =	shalt  }

</sc_bundles>
